<compile_context>
chip_gen: v7x
topology: tpu7x:2x2x1
jax: 0.10.2.dev20260603
libtpu: 0.0.44.dev20260713+nightly
codegen_flags: <defaults>
</compile_context>

<pallas_src>
import functools

import jax
import jax.numpy as jnp
import numpy as np
from jax import lax
from jax.experimental import pallas as pl
from jax.experimental.pallas import tpu as pltpu
from jax.experimental.pallas import tpu_sc as plsc

_N, _C, _RES, _F = 32, 192, 32, 4
_LH = _RES // _F
_HW = _LH * _LH
_NB = _F * _F
_K = 6
_R = _NB * _N
_OC = _C // 10 + 1
_OUTD = _HW * _OC
_HID = _K * _C + _HW
_NROWS = _N * _RES * _RES
_CP = 256
_CINP = _K * _CP + _HW

_SC_NC, _SC_NS = 2, 16
_NW = _SC_NC * _SC_NS
_NIDX = _R * _K
_RPW = _R // _NW

_CHUNK = 2048


def _diag_mask() -> np.ndarray:
    idx = np.arange(_CHUNK)
    rr = (idx % (_RES * _RES)) // (_LH * _RES)
    ss = (idx % _RES) // _LH
    m = np.zeros((_CHUNK, _NB), np.float32)
    m[idx, rr * _F + ss] = 1.0
    return m


_DIAG = _diag_mask()


def _scores_body(xr_ref, b_ref, dm_ref, t_ref, tab_ref):
    a32 = xr_ref[0]
    a = a32.astype(jnp.bfloat16)
    b = b_ref[...].astype(jnp.bfloat16)
    t_mm = jnp.dot(a, b, preferred_element_type=jnp.float32)
    t_ref[0] = jnp.sum(t_mm * dm_ref[...], axis=1, keepdims=True)
    tab_ref[0] = jnp.pad(a32, ((0, 0), (0, _CP - _C)))


def _run_scores(xrows, cwt):
    xr3 = xrows.reshape(_NROWS // _CHUNK, _CHUNK, _C)
    return pl.pallas_call(
        _scores_body,
        grid=(_NROWS // _CHUNK,),
        in_specs=[
            pl.BlockSpec((1, _CHUNK, _C), lambda i: (i, 0, 0)),
            pl.BlockSpec((_C, _NB), lambda i: (0, 0)),
            pl.BlockSpec((_CHUNK, _NB), lambda i: (0, 0)),
        ],
        out_specs=[
            pl.BlockSpec((1, _CHUNK, 1), lambda i: (i, 0, 0)),
            pl.BlockSpec((1, _CHUNK, _CP), lambda i: (i, 0, 0)),
        ],
        out_shape=[
            jax.ShapeDtypeStruct((_NROWS // _CHUNK, _CHUNK, 1), jnp.float32),
            jax.ShapeDtypeStruct((_NROWS // _CHUNK, _CHUNK, _CP), jnp.float32),
        ],
    )(xr3, cwt, jnp.asarray(_DIAG))


def _select_body(t_ref, mask_ref, gidx_ref):
    t = t_ref[...]
    e = jnp.exp(t)
    normed = e / jnp.sum(e, axis=1, keepdims=True)
    pos = lax.broadcasted_iota(jnp.int32, (_R, _HW), 1)
    work = normed
    mask = jnp.zeros((_R, _HW), jnp.float32)
    for _ in range(_K):
        m = jnp.max(work, axis=1, keepdims=True)
        is_max = work == m
        cand = jnp.where(is_max, pos, _HW)
        sel = jnp.min(cand, axis=1, keepdims=True)
        one = pos == sel
        mask = mask + one.astype(jnp.float32)
        work = jnp.where(one, -jnp.inf, work)
    mask_ref[...] = mask
    r = lax.broadcasted_iota(jnp.int32, (_R, 1), 0)
    n = r & (_N - 1)
    bi = r >> 5
    rr = bi >> 2
    ss = bi & 3
    base = n * (_RES * _RES) + rr * (_LH * _RES) + ss * _LH
    candp = jnp.where(mask > 0.5, pos, _HW)
    cols = []
    for _ in range(_K):
        p = jnp.min(candp, axis=1, keepdims=True)
        cols.append(base + (p >> 3) * _RES + (p & 7))
        candp = jnp.where(candp == p, _HW, candp)
    gidx_ref[...] = jnp.concatenate(cols, axis=1)


def _run_select(t):
    mask, gidx = pl.pallas_call(
        _select_body,
        out_shape=[
            jax.ShapeDtypeStruct((_R, _HW), jnp.float32),
            jax.ShapeDtypeStruct((_R, _K), jnp.int32),
        ],
    )(t)
    return mask, gidx


def _make_sc_gather():
    mesh = plsc.VectorSubcoreMesh(core_axis_name="c", subcore_axis_name="s")

    @functools.partial(
        pl.kernel,
        mesh=mesh,
        out_type=jax.ShapeDtypeStruct((_R, _CINP), jnp.float32),
        scratch_types=[
            pltpu.VMEM((_RPW * _K,), jnp.int32),
            pltpu.VMEM((_RPW * _K, _CP), jnp.float32),
            pltpu.VMEM((_RPW, _HW), jnp.float32),
            pltpu.SemaphoreType.DMA,
        ],
    )
    def gather_k(table_hbm, idxt_hbm, mask_hbm, out_hbm, idx_v, rows_v, mask_v, sem):
        wid = lax.axis_index("s") * _SC_NC + lax.axis_index("c")
        base = wid * _RPW
        pltpu.sync_copy(idxt_hbm.at[pl.ds(wid * _RPW * _K, _RPW * _K)], idx_v)
        pltpu.sync_copy(mask_hbm.at[pl.ds(base, _RPW)], mask_v)
        pltpu.async_copy(table_hbm.at[idx_v], rows_v, sem).wait()
        for j in range(_K):
            pltpu.sync_copy(
                rows_v.at[pl.ds(j * _RPW, _RPW)],
                out_hbm.at[pl.ds(base, _RPW), pl.ds(j * _CP, _CP)],
            )
        pltpu.sync_copy(mask_v, out_hbm.at[pl.ds(base, _RPW), pl.ds(_K * _CP, _HW)])

    return gather_k


_sc_gather_impl = None


def _sc_gather(table, idxt, mask):
    global _sc_gather_impl
    if _sc_gather_impl is None:
        _sc_gather_impl = _make_sc_gather()
    return _sc_gather_impl(table, idxt, mask)


def _mlp_body(cin_ref, w1_ref, b1_ref, w2_ref, b2_ref, out_ref):
    cin = cin_ref[...].astype(jnp.bfloat16)
    hid = lax.dot_general(
        cin, w1_ref[...], (((1,), (1,)), ((), ())),
        preferred_element_type=jnp.float32,
    )
    hid = jnp.maximum(hid + b1_ref[...], 0.0).astype(jnp.bfloat16)
    rec = (
        lax.dot_general(
            hid, w2_ref[...], (((1,), (1,)), ((), ())),
            preferred_element_type=jnp.float32,
        )
        + b2_ref[...]
    ).astype(jnp.bfloat16)
    out_ref[...] = rec


def _run_mlp(cin, W1p, b1, W2p, b2p):
    return pl.pallas_call(
        _mlp_body,
        out_shape=jax.ShapeDtypeStruct((_R, _OUTD), jnp.bfloat16),
    )(cin, W1p, b1.reshape(1, _HID), W2p, b2p.reshape(1, _OUTD))


def _outconv_body(rec_ref, ow_ref, out_ref):
    rb = rec_ref[0].reshape(_N * _HW, _OC)
    ow = ow_ref[...].astype(jnp.bfloat16)
    o = jnp.dot(rb, ow, preferred_element_type=jnp.float32)
    out_ref[...] = o.reshape(_N, 1, _LH, 1, _LH, _C)


def _run_outconv(rec, owt):
    rec3 = rec.reshape(_NB, _N, _HW, _OC)
    return pl.pallas_call(
        _outconv_body,
        grid=(_NB,),
        in_specs=[
            pl.BlockSpec((1, _N, _HW, _OC), lambda i: (i, 0, 0, 0)),
            pl.BlockSpec((_OC, _C), lambda i: (0, 0)),
        ],
        out_specs=pl.BlockSpec(
            (_N, 1, _LH, 1, _LH, _C),
            lambda i: (0, i // _F, 0, i % _F, 0, 0),
        ),
        out_shape=jax.ShapeDtypeStruct(
            (_N, _F, _LH, _F, _LH, _C), jnp.float32
        ),
    )(rec3, owt)


def kernel(x, conv_w, W1, b1, W2, b2, out_w):
    n, c, h, w = x.shape
    xrows = x.transpose(0, 2, 3, 1).reshape(_NROWS, _C)

    t_diag, table3 = _run_scores(xrows, conv_w.T)
    table = table3.reshape(_NROWS, _CP)
    t_sel = (
        t_diag[:, :, 0]
        .reshape(_N, _F, _LH, _F, _LH)
        .transpose(1, 3, 0, 2, 4)
        .reshape(_R, _HW)
    )
    mask, gidx = _run_select(t_sel)

    idxt = (
        gidx.reshape(_NW, _RPW, _K).transpose(0, 2, 1).reshape(_NIDX)
    )
    cin = _sc_gather(table, idxt, mask)

    W1p = jnp.concatenate(
        [
            jnp.pad(
                W1[:, : _K * _C].reshape(_HID, _K, _C),
                ((0, 0), (0, 0), (0, _CP - _C)),
            ).reshape(_HID, _K * _CP),
            W1[:, _K * _C :],
        ],
        axis=1,
    ).astype(jnp.bfloat16)
    W2p = (
        W2.reshape(_OC, _HW, _HID)
        .transpose(1, 0, 2)
        .reshape(_OUTD, _HID)
        .astype(jnp.bfloat16)
    )
    b2p = b2.reshape(_OC, _HW).T.reshape(_OUTD)

    rec = _run_mlp(cin, W1p, b1, W2p, b2p)
    out6 = _run_outconv(rec, out_w.T)
    return out6.reshape(_N, _RES, _RES, _C).transpose(0, 3, 1, 2)

# --- scband reference (transcript-rebuilt; emitter-appended) ---
"""Pipeline reference for scband-sparsify-hypercol-local-modular-86337432584586 (READ-ONLY COPY).

The authoritative reference and input builder live on the scoring server;
editing this copy changes nothing except your own understanding.
"""

import jax, jax.numpy as jnp
import numpy as np

N, C, RES = 32, 192, 32
F = 4
LH = RES // F
LW = RES // F
K = max(1, int(LH * LW * 0.1))
INDIM = K * C + LH * LW
HIDDEN = INDIM
OC = C // 10 + 1
OUTDIM = LH * LW * OC


def setup_inputs(seed: int = 0) -> dict:
    key = jax.random.key(seed)
    ks = jax.random.split(key, 6)
    x = jax.random.normal(ks[0], (N, C, RES, RES), dtype=jnp.float32)
    conv_w = jax.random.normal(ks[1], (F * F, C), dtype=jnp.float32) * (1.0 / np.sqrt(C))
    W1 = jax.random.normal(ks[2], (HIDDEN, INDIM), dtype=jnp.float32) * (1.0 / np.sqrt(INDIM))
    b1 = jnp.zeros((HIDDEN,), jnp.float32)
    W2 = jax.random.normal(ks[3], (OUTDIM, HIDDEN), dtype=jnp.float32) * (1.0 / np.sqrt(HIDDEN))
    b2 = jnp.zeros((OUTDIM,), jnp.float32)
    out_w = jax.random.normal(ks[4], (C, OC), dtype=jnp.float32) * (1.0 / np.sqrt(OC))
    return {"x": x, "conv_w": conv_w, "W1": W1, "b1": b1, "W2": W2, "b2": b2, "out_w": out_w}


def reference(x, conv_w, W1, b1, W2, b2, out_w):
    n, c, h, w = x.shape
    f = F
    lh = h // f
    lw = w // f
    k = K
    oc = out_w.shape[1]
    bi = 0
    rows = []
    for r in range(f):
        row_blocks = []
        for s in range(f):
            xb = x[:, :, r * lh:(r + 1) * lh, s * lw:(s + 1) * lw]  # [n,c,lh,lw]
            # 1x1 conv (out_ch=1, no bias) == channel dot product per spatial loc
            t = jnp.einsum('nchw,c->nhw', xb, conv_w[bi])
            e = jnp.exp(t)
            normed = e / jnp.sum(e, axis=(1, 2), keepdims=True)  # [n,lh,lw]
            flat = normed.reshape(n, lh * lw)
            _, idx = jax.lax.top_k(flat, k)  # [n,k]
            mask = jnp.zeros((n, lh * lw), x.dtype).at[jnp.arange(n)[:, None], idx].set(1.0)
            mask4 = mask.reshape(n, 1, lh, lw)
            normed4 = normed[:, None, :, :]
            st_mask = jax.lax.stop_gradient(mask4 - normed4) + normed4
            out = st_mask * xb  # [n,c,lh,lw]
            # torch.where traverses in sorted flat-index order per sample
            sidx = jnp.sort(idx, axis=1)  # [n,k]
            out_flat = out.reshape(n, c, lh * lw)
            gathered = jnp.take_along_axis(out_flat, sidx[:, None, :], axis=2)  # [n,c,k]
            out_efficient = jnp.transpose(gathered, (0, 2, 1)).reshape(n, k * c)
            concat_out = jnp.concatenate([out_efficient, st_mask.reshape(n, -1)], axis=1)  # [n,INDIM]
            hid = jax.nn.relu(concat_out @ W1.T + b1)
            rec = (hid @ W2.T + b2).reshape(n, oc, lh, lw)
            row_blocks.append(rec)
            bi += 1
        rows.append(jnp.concatenate(row_blocks, axis=3))
    full = jnp.concatenate(rows, axis=2)  # [n,oc,h,w]
    recovered_x = jnp.einsum('nohw,co->nchw', full, out_w)  # 1x1 out_conv
    return recovered_x

if __name__ == "__main__":
    import jax
    _d = setup_inputs()
    print(jax.jit(kernel)(*tuple(_d.values())))

</pallas_src>

<mosaic_0001>
#map = affine_map<(d0, d1) -> (0, 0)>
#map1 = affine_map<(d0, d1) -> (0)>
module attributes {stable_mosaic.version = 14 : i64} {
  func.func @gather_k(%arg0: i32, %arg1: i32, %arg2: memref<32768x256xf32, #tpu.memory_space<hbm>>, %arg3: memref<3072xi32, #tpu.memory_space<hbm>>, %arg4: memref<512x64xf32, #tpu.memory_space<hbm>>, %arg5: memref<512x1600xf32, #tpu.memory_space<hbm>>, %arg6: memref<96xi32, #tpu.memory_space<vmem>>, %arg7: memref<96x256xf32, #tpu.memory_space<vmem>>, %arg8: memref<16x64xf32, #tpu.memory_space<vmem>>, %arg9: memref<!tpu.dma_semaphore, #tpu.memory_space<semaphore_mem>>) attributes {dimension_semantics = [#tpu.dimension_semantics<core_parallel>, #tpu.dimension_semantics<subcore_parallel>], iteration_bounds = array<i64: 2, 16>, scalar_prefetch = 0 : i64, scratch_operands = 4 : i64, tpu.core_type = #tpu.core_type<sc_vector_subcore>, window_params = [{transform_indices = #map}, {transform_indices = #map1}, {transform_indices = #map}, {transform_indices = #map}]} {
    %mul3A = arith.constant 2 : i32
    %mul3A_0 = arith.muli %arg1, %mul3A : i32
    %add3A = arith.addi %mul3A_0, %arg0 : i32
    %mul3A_1 = arith.constant 16 : i32
    %mul3A_2 = arith.muli %add3A, %mul3A_1 : i32
    %mul3A_3 = arith.constant 16 : i32
    %mul3A_4 = arith.muli %add3A, %mul3A_3 : i32
    %mul3A_5 = arith.constant 6 : i32
    %mul3A_6 = arith.muli %mul3A_4, %mul3A_5 : i32
    "tpu.region"() ({
      %run_scoped3A = tpu.sem_alloc : memref<!tpu.dma_semaphore, #tpu.memory_space<semaphore_mem>>
      %dma_start3A_11 = tpu.memref_slice %arg3[%mul3A_6] : memref<3072xi32, #tpu.memory_space<hbm>> -> memref<96xi32, #tpu.memory_space<hbm>>
      %dma_start3A_12 = tpu.memref_slice %arg3[%mul3A_6] : memref<3072xi32, #tpu.memory_space<hbm>> -> memref<96xi32, #tpu.memory_space<hbm>>
      tpu.enqueue_dma source(%dma_start3A_12 : memref<96xi32, #tpu.memory_space<hbm>>) target(%arg6 : memref<96xi32, #tpu.memory_space<vmem>>) target_semaphore(%run_scoped3A : memref<!tpu.dma_semaphore, #tpu.memory_space<semaphore_mem>>)
      %dma_wait3A_13 = tpu.memref_slice %arg3[%mul3A_6] : memref<3072xi32, #tpu.memory_space<hbm>> -> memref<96xi32, #tpu.memory_space<hbm>>
      %dma_wait3A_14 = tpu.memref_slice %arg3[%mul3A_6] : memref<3072xi32, #tpu.memory_space<hbm>> -> memref<96xi32, #tpu.memory_space<hbm>>
      tpu.wait_dma2 semaphore(%run_scoped3A : memref<!tpu.dma_semaphore, #tpu.memory_space<semaphore_mem>>) src(%dma_wait3A_14 : memref<96xi32, #tpu.memory_space<hbm>>) dst(%arg6 : memref<96xi32, #tpu.memory_space<vmem>>)
      tpu.yield
    }) : () -> ()
    "tpu.region"() ({
      %run_scoped3A = tpu.sem_alloc : memref<!tpu.dma_semaphore, #tpu.memory_space<semaphore_mem>>
      %dma_start3A_11 = arith.constant 0 : i32
      %dma_start3A_12 = tpu.memref_slice %arg4[%mul3A_2, %dma_start3A_11] : memref<512x64xf32, #tpu.memory_space<hbm>> -> memref<16x64xf32, #tpu.memory_space<hbm>>
      %dma_start3A_13 = arith.constant 0 : i32
      %dma_start3A_14 = tpu.memref_slice %arg4[%mul3A_2, %dma_start3A_13] : memref<512x64xf32, #tpu.memory_space<hbm>> -> memref<16x64xf32, #tpu.memory_space<hbm>>
      tpu.enqueue_dma source(%dma_start3A_14 : memref<16x64xf32, #tpu.memory_space<hbm>>) target(%arg8 : memref<16x64xf32, #tpu.memory_space<vmem>>) target_semaphore(%run_scoped3A : memref<!tpu.dma_semaphore, #tpu.memory_space<semaphore_mem>>)
      %dma_wait3A_15 = arith.constant 0 : i32
      %dma_wait3A_16 = tpu.memref_slice %arg4[%mul3A_2, %dma_wait3A_15] : memref<512x64xf32, #tpu.memory_space<hbm>> -> memref<16x64xf32, #tpu.memory_space<hbm>>
      %dma_wait3A_17 = arith.constant 0 : i32
      %dma_wait3A_18 = tpu.memref_slice %arg4[%mul3A_2, %dma_wait3A_17] : memref<512x64xf32, #tpu.memory_space<hbm>> -> memref<16x64xf32, #tpu.memory_space<hbm>>
      tpu.wait_dma2 semaphore(%run_scoped3A : memref<!tpu.dma_semaphore, #tpu.memory_space<semaphore_mem>>) src(%dma_wait3A_18 : memref<16x64xf32, #tpu.memory_space<hbm>>) dst(%arg8 : memref<16x64xf32, #tpu.memory_space<vmem>>)
      tpu.yield
    }) : () -> ()
    %dma_start3A = arith.constant 0 : i32
    %dma_start3A_7 = arith.constant 0 : i32
    %dma_start3A_8 = tpu.memref_slice %arg2[%dma_start3A, %dma_start3A_7] : memref<32768x256xf32, #tpu.memory_space<hbm>> -> memref<32768x256xf32, #tpu.memory_space<hbm>>
    tpu.enqueue_indirect_dma source(%dma_start3A_8 : memref<32768x256xf32, #tpu.memory_space<hbm>>) target(%arg7 : memref<96x256xf32, #tpu.memory_space<vmem>>) offsets(%arg6 : memref<96xi32, #tpu.memory_space<vmem>>) semaphore(%arg9 : memref<!tpu.dma_semaphore, #tpu.memory_space<semaphore_mem>>)
    %dma_wait3A = arith.constant 0 : i32
    %dma_wait3A_9 = arith.constant 0 : i32
    %dma_wait3A_10 = tpu.memref_slice %arg2[%dma_wait3A, %dma_wait3A_9] : memref<32768x256xf32, #tpu.memory_space<hbm>> -> memref<32768x256xf32, #tpu.memory_space<hbm>>
    tpu.wait_indirect_dma semaphore(%arg9 : memref<!tpu.dma_semaphore, #tpu.memory_space<semaphore_mem>>) src(%dma_wait3A_10 : memref<32768x256xf32, #tpu.memory_space<hbm>>) dst(%arg7 : memref<96x256xf32, #tpu.memory_space<vmem>>)
    "tpu.region"() ({
      %run_scoped3A = tpu.sem_alloc : memref<!tpu.dma_semaphore, #tpu.memory_space<semaphore_mem>>
      %dma_start3A_11 = arith.constant 0 : i32
      %dma_start3A_12 = arith.constant 0 : i32
      %dma_start3A_13 = tpu.memref_slice %arg7[%dma_start3A_11, %dma_start3A_12] : memref<96x256xf32, #tpu.memory_space<vmem>> -> memref<16x256xf32, #tpu.memory_space<vmem>>
      %dma_start3A_14 = arith.constant 0 : i32
      %dma_start3A_15 = tpu.memref_slice %arg5[%mul3A_2, %dma_start3A_14] : memref<512x1600xf32, #tpu.memory_space<hbm>> -> memref<16x256xf32, #tpu.memory_space<hbm>>
      %dma_start3A_16 = arith.constant 0 : i32
      %dma_start3A_17 = tpu.memref_slice %arg5[%mul3A_2, %dma_start3A_16] : memref<512x1600xf32, #tpu.memory_space<hbm>> -> memref<16x256xf32, #tpu.memory_space<hbm>>
      %dma_start3A_18 = arith.constant 0 : i32
      %dma_start3A_19 = arith.constant 0 : i32
      %dma_start3A_20 = tpu.memref_slice %arg7[%dma_start3A_18, %dma_start3A_19] : memref<96x256xf32, #tpu.memory_space<vmem>> -> memref<16x256xf32, #tpu.memory_space<vmem>>
      tpu.enqueue_dma source(%dma_start3A_20 : memref<16x256xf32, #tpu.memory_space<vmem>>) target(%dma_start3A_17 : memref<16x256xf32, #tpu.memory_space<hbm>>) target_semaphore(%run_scoped3A : memref<!tpu.dma_semaphore, #tpu.memory_space<semaphore_mem>>)
      %dma_wait3A_21 = arith.constant 0 : i32
      %dma_wait3A_22 = arith.constant 0 : i32
      %dma_wait3A_23 = tpu.memref_slice %arg7[%dma_wait3A_21, %dma_wait3A_22] : memref<96x256xf32, #tpu.memory_space<vmem>> -> memref<16x256xf32, #tpu.memory_space<vmem>>
      %dma_wait3A_24 = arith.constant 0 : i32
      %dma_wait3A_25 = tpu.memref_slice %arg5[%mul3A_2, %dma_wait3A_24] : memref<512x1600xf32, #tpu.memory_space<hbm>> -> memref<16x256xf32, #tpu.memory_space<hbm>>
      %dma_wait3A_26 = arith.constant 0 : i32
      %dma_wait3A_27 = tpu.memref_slice %arg5[%mul3A_2, %dma_wait3A_26] : memref<512x1600xf32, #tpu.memory_space<hbm>> -> memref<16x256xf32, #tpu.memory_space<hbm>>
      %dma_wait3A_28 = arith.constant 0 : i32
      %dma_wait3A_29 = arith.constant 0 : i32
      %dma_wait3A_30 = tpu.memref_slice %arg7[%dma_wait3A_28, %dma_wait3A_29] : memref<96x256xf32, #tpu.memory_space<vmem>> -> memref<16x256xf32, #tpu.memory_space<vmem>>
      tpu.wait_dma2 semaphore(%run_scoped3A : memref<!tpu.dma_semaphore, #tpu.memory_space<semaphore_mem>>) src(%dma_wait3A_30 : memref<16x256xf32, #tpu.memory_space<vmem>>) dst(%dma_wait3A_27 : memref<16x256xf32, #tpu.memory_space<hbm>>)
      tpu.yield
    }) : () -> ()
    "tpu.region"() ({
      %run_scoped3A = tpu.sem_alloc : memref<!tpu.dma_semaphore, #tpu.memory_space<semaphore_mem>>
      %dma_start3A_11 = arith.constant 16 : i32
      %dma_start3A_12 = arith.constant 0 : i32
      %dma_start3A_13 = tpu.memref_slice %arg7[%dma_start3A_11, %dma_start3A_12] : memref<96x256xf32, #tpu.memory_space<vmem>> -> memref<16x256xf32, #tpu.memory_space<vmem>>
      %dma_start3A_14 = arith.constant 256 : i32
      %dma_start3A_15 = tpu.memref_slice %arg5[%mul3A_2, %dma_start3A_14] : memref<512x1600xf32, #tpu.memory_space<hbm>> -> memref<16x256xf32, #tpu.memory_space<hbm>>
      %dma_start3A_16 = arith.constant 256 : i32
      %dma_start3A_17 = tpu.memref_slice %arg5[%mul3A_2, %dma_start3A_16] : memref<512x1600xf32, #tpu.memory_space<hbm>> -> memref<16x256xf32, #tpu.memory_space<hbm>>
      %dma_start3A_18 = arith.constant 16 : i32
      %dma_start3A_19 = arith.constant 0 : i32
      %dma_start3A_20 = tpu.memref_slice %arg7[%dma_start3A_18, %dma_start3A_19] : memref<96x256xf32, #tpu.memory_space<vmem>> -> memref<16x256xf32, #tpu.memory_space<vmem>>
      tpu.enqueue_dma source(%dma_start3A_20 : memref<16x256xf32, #tpu.memory_space<vmem>>) target(%dma_start3A_17 : memref<16x256xf32, #tpu.memory_space<hbm>>) target_semaphore(%run_scoped3A : memref<!tpu.dma_semaphore, #tpu.memory_space<semaphore_mem>>)
      %dma_wait3A_21 = arith.constant 16 : i32
      %dma_wait3A_22 = arith.constant 0 : i32
      %dma_wait3A_23 = tpu.memref_slice %arg7[%dma_wait3A_21, %dma_wait3A_22] : memref<96x256xf32, #tpu.memory_space<vmem>> -> memref<16x256xf32, #tpu.memory_space<vmem>>
      %dma_wait3A_24 = arith.constant 256 : i32
      %dma_wait3A_25 = tpu.memref_slice %arg5[%mul3A_2, %dma_wait3A_24] : memref<512x1600xf32, #tpu.memory_space<hbm>> -> memref<16x256xf32, #tpu.memory_space<hbm>>
      %dma_wait3A_26 = arith.constant 256 : i32
      %dma_wait3A_27 = tpu.memref_slice %arg5[%mul3A_2, %dma_wait3A_26] : memref<512x1600xf32, #tpu.memory_space<hbm>> -> memref<16x256xf32, #tpu.memory_space<hbm>>
      %dma_wait3A_28 = arith.constant 16 : i32
      %dma_wait3A_29 = arith.constant 0 : i32
      %dma_wait3A_30 = tpu.memref_slice %arg7[%dma_wait3A_28, %dma_wait3A_29] : memref<96x256xf32, #tpu.memory_space<vmem>> -> memref<16x256xf32, #tpu.memory_space<vmem>>
      tpu.wait_dma2 semaphore(%run_scoped3A : memref<!tpu.dma_semaphore, #tpu.memory_space<semaphore_mem>>) src(%dma_wait3A_30 : memref<16x256xf32, #tpu.memory_space<vmem>>) dst(%dma_wait3A_27 : memref<16x256xf32, #tpu.memory_space<hbm>>)
      tpu.yield
    }) : () -> ()
    "tpu.region"() ({
      %run_scoped3A = tpu.sem_alloc : memref<!tpu.dma_semaphore, #tpu.memory_space<semaphore_mem>>
      %dma_start3A_11 = arith.constant 32 : i32
      %dma_start3A_12 = arith.constant 0 : i32
      %dma_start3A_13 = tpu.memref_slice %arg7[%dma_start3A_11, %dma_start3A_12] : memref<96x256xf32, #tpu.memory_space<vmem>> -> memref<16x256xf32, #tpu.memory_space<vmem>>
      %dma_start3A_14 = arith.constant 512 : i32
      %dma_start3A_15 = tpu.memref_slice %arg5[%mul3A_2, %dma_start3A_14] : memref<512x1600xf32, #tpu.memory_space<hbm>> -> memref<16x256xf32, #tpu.memory_space<hbm>>
      %dma_start3A_16 = arith.constant 512 : i32
      %dma_start3A_17 = tpu.memref_slice %arg5[%mul3A_2, %dma_start3A_16] : memref<512x1600xf32, #tpu.memory_space<hbm>> -> memref<16x256xf32, #tpu.memory_space<hbm>>
      %dma_start3A_18 = arith.constant 32 : i32
      %dma_start3A_19 = arith.constant 0 : i32
      %dma_start3A_20 = tpu.memref_slice %arg7[%dma_start3A_18, %dma_start3A_19] : memref<96x256xf32, #tpu.memory_space<vmem>> -> memref<16x256xf32, #tpu.memory_space<vmem>>
      tpu.enqueue_dma source(%dma_start3A_20 : memref<16x256xf32, #tpu.memory_space<vmem>>) target(%dma_start3A_17 : memref<16x256xf32, #tpu.memory_space<hbm>>) target_semaphore(%run_scoped3A : memref<!tpu.dma_semaphore, #tpu.memory_space<semaphore_mem>>)
      %dma_wait3A_21 = arith.constant 32 : i32
      %dma_wait3A_22 = arith.constant 0 : i32
      %dma_wait3A_23 = tpu.memref_slice %arg7[%dma_wait3A_21, %dma_wait3A_22] : memref<96x256xf32, #tpu.memory_space<vmem>> -> memref<16x256xf32, #tpu.memory_space<vmem>>
      %dma_wait3A_24 = arith.constant 512 : i32
      %dma_wait3A_25 = tpu.memref_slice %arg5[%mul3A_2, %dma_wait3A_24] : memref<512x1600xf32, #tpu.memory_space<hbm>> -> memref<16x256xf32, #tpu.memory_space<hbm>>
      %dma_wait3A_26 = arith.constant 512 : i32
      %dma_wait3A_27 = tpu.memref_slice %arg5[%mul3A_2, %dma_wait3A_26] : memref<512x1600xf32, #tpu.memory_space<hbm>> -> memref<16x256xf32, #tpu.memory_space<hbm>>
      %dma_wait3A_28 = arith.constant 32 : i32
      %dma_wait3A_29 = arith.constant 0 : i32
      %dma_wait3A_30 = tpu.memref_slice %arg7[%dma_wait3A_28, %dma_wait3A_29] : memref<96x256xf32, #tpu.memory_space<vmem>> -> memref<16x256xf32, #tpu.memory_space<vmem>>
      tpu.wait_dma2 semaphore(%run_scoped3A : memref<!tpu.dma_semaphore, #tpu.memory_space<semaphore_mem>>) src(%dma_wait3A_30 : memref<16x256xf32, #tpu.memory_space<vmem>>) dst(%dma_wait3A_27 : memref<16x256xf32, #tpu.memory_space<hbm>>)
      tpu.yield
    }) : () -> ()
    "tpu.region"() ({
      %run_scoped3A = tpu.sem_alloc : memref<!tpu.dma_semaphore, #tpu.memory_space<semaphore_mem>>
      %dma_start3A_11 = arith.constant 48 : i32
      %dma_start3A_12 = arith.constant 0 : i32
      %dma_start3A_13 = tpu.memref_slice %arg7[%dma_start3A_11, %dma_start3A_12] : memref<96x256xf32, #tpu.memory_space<vmem>> -> memref<16x256xf32, #tpu.memory_space<vmem>>
      %dma_start3A_14 = arith.constant 768 : i32
      %dma_start3A_15 = tpu.memref_slice %arg5[%mul3A_2, %dma_start3A_14] : memref<512x1600xf32, #tpu.memory_space<hbm>> -> memref<16x256xf32, #tpu.memory_space<hbm>>
      %dma_start3A_16 = arith.constant 768 : i32
      %dma_start3A_17 = tpu.memref_slice %arg5[%mul3A_2, %dma_start3A_16] : memref<512x1600xf32, #tpu.memory_space<hbm>> -> memref<16x256xf32, #tpu.memory_space<hbm>>
      %dma_start3A_18 = arith.constant 48 : i32
      %dma_start3A_19 = arith.constant 0 : i32
      %dma_start3A_20 = tpu.memref_slice %arg7[%dma_start3A_18, %dma_start3A_19] : memref<96x256xf32, #tpu.memory_space<vmem>> -> memref<16x256xf32, #tpu.memory_space<vmem>>
      tpu.enqueue_dma source(%dma_start3A_20 : memref<16x256xf32, #tpu.memory_space<vmem>>) target(%dma_start3A_17 : memref<16x256xf32, #tpu.memory_space<hbm>>) target_semaphore(%run_scoped3A : memref<!tpu.dma_semaphore, #tpu.memory_space<semaphore_mem>>)
      %dma_wait3A_21 = arith.constant 48 : i32
      %dma_wait3A_22 = arith.constant 0 : i32
      %dma_wait3A_23 = tpu.memref_slice %arg7[%dma_wait3A_21, %dma_wait3A_22] : memref<96x256xf32, #tpu.memory_space<vmem>> -> memref<16x256xf32, #tpu.memory_space<vmem>>
      %dma_wait3A_24 = arith.constant 768 : i32
      %dma_wait3A_25 = tpu.memref_slice %arg5[%mul3A_2, %dma_wait3A_24] : memref<512x1600xf32, #tpu.memory_space<hbm>> -> memref<16x256xf32, #tpu.memory_space<hbm>>
      %dma_wait3A_26 = arith.constant 768 : i32
      %dma_wait3A_27 = tpu.memref_slice %arg5[%mul3A_2, %dma_wait3A_26] : memref<512x1600xf32, #tpu.memory_space<hbm>> -> memref<16x256xf32, #tpu.memory_space<hbm>>
      %dma_wait3A_28 = arith.constant 48 : i32
      %dma_wait3A_29 = arith.constant 0 : i32
      %dma_wait3A_30 = tpu.memref_slice %arg7[%dma_wait3A_28, %dma_wait3A_29] : memref<96x256xf32, #tpu.memory_space<vmem>> -> memref<16x256xf32, #tpu.memory_space<vmem>>
      tpu.wait_dma2 semaphore(%run_scoped3A : memref<!tpu.dma_semaphore, #tpu.memory_space<semaphore_mem>>) src(%dma_wait3A_30 : memref<16x256xf32, #tpu.memory_space<vmem>>) dst(%dma_wait3A_27 : memref<16x256xf32, #tpu.memory_space<hbm>>)
      tpu.yield
    }) : () -> ()
    "tpu.region"() ({
      %run_scoped3A = tpu.sem_alloc : memref<!tpu.dma_semaphore, #tpu.memory_space<semaphore_mem>>
      %dma_start3A_11 = arith.constant 64 : i32
      %dma_start3A_12 = arith.constant 0 : i32
      %dma_start3A_13 = tpu.memref_slice %arg7[%dma_start3A_11, %dma_start3A_12] : memref<96x256xf32, #tpu.memory_space<vmem>> -> memref<16x256xf32, #tpu.memory_space<vmem>>
      %dma_start3A_14 = arith.constant 1024 : i32
      %dma_start3A_15 = tpu.memref_slice %arg5[%mul3A_2, %dma_start3A_14] : memref<512x1600xf32, #tpu.memory_space<hbm>> -> memref<16x256xf32, #tpu.memory_space<hbm>>
      %dma_start3A_16 = arith.constant 1024 : i32
      %dma_start3A_17 = tpu.memref_slice %arg5[%mul3A_2, %dma_start3A_16] : memref<512x1600xf32, #tpu.memory_space<hbm>> -> memref<16x256xf32, #tpu.memory_space<hbm>>
      %dma_start3A_18 = arith.constant 64 : i32
      %dma_start3A_19 = arith.constant 0 : i32
      %dma_start3A_20 = tpu.memref_slice %arg7[%dma_start3A_18, %dma_start3A_19] : memref<96x256xf32, #tpu.memory_space<vmem>> -> memref<16x256xf32, #tpu.memory_space<vmem>>
      tpu.enqueue_dma source(%dma_start3A_20 : memref<16x256xf32, #tpu.memory_space<vmem>>) target(%dma_start3A_17 : memref<16x256xf32, #tpu.memory_space<hbm>>) target_semaphore(%run_scoped3A : memref<!tpu.dma_semaphore, #tpu.memory_space<semaphore_mem>>)
      %dma_wait3A_21 = arith.constant 64 : i32
      %dma_wait3A_22 = arith.constant 0 : i32
      %dma_wait3A_23 = tpu.memref_slice %arg7[%dma_wait3A_21, %dma_wait3A_22] : memref<96x256xf32, #tpu.memory_space<vmem>> -> memref<16x256xf32, #tpu.memory_space<vmem>>
      %dma_wait3A_24 = arith.constant 1024 : i32
      %dma_wait3A_25 = tpu.memref_slice %arg5[%mul3A_2, %dma_wait3A_24] : memref<512x1600xf32, #tpu.memory_space<hbm>> -> memref<16x256xf32, #tpu.memory_space<hbm>>
      %dma_wait3A_26 = arith.constant 1024 : i32
      %dma_wait3A_27 = tpu.memref_slice %arg5[%mul3A_2, %dma_wait3A_26] : memref<512x1600xf32, #tpu.memory_space<hbm>> -> memref<16x256xf32, #tpu.memory_space<hbm>>
      %dma_wait3A_28 = arith.constant 64 : i32
      %dma_wait3A_29 = arith.constant 0 : i32
      %dma_wait3A_30 = tpu.memref_slice %arg7[%dma_wait3A_28, %dma_wait3A_29] : memref<96x256xf32, #tpu.memory_space<vmem>> -> memref<16x256xf32, #tpu.memory_space<vmem>>
      tpu.wait_dma2 semaphore(%run_scoped3A : memref<!tpu.dma_semaphore, #tpu.memory_space<semaphore_mem>>) src(%dma_wait3A_30 : memref<16x256xf32, #tpu.memory_space<vmem>>) dst(%dma_wait3A_27 : memref<16x256xf32, #tpu.memory_space<hbm>>)
      tpu.yield
    }) : () -> ()
    "tpu.region"() ({
      %run_scoped3A = tpu.sem_alloc : memref<!tpu.dma_semaphore, #tpu.memory_space<semaphore_mem>>
      %dma_start3A_11 = arith.constant 80 : i32
      %dma_start3A_12 = arith.constant 0 : i32
      %dma_start3A_13 = tpu.memref_slice %arg7[%dma_start3A_11, %dma_start3A_12] : memref<96x256xf32, #tpu.memory_space<vmem>> -> memref<16x256xf32, #tpu.memory_space<vmem>>
      %dma_start3A_14 = arith.constant 1280 : i32
      %dma_start3A_15 = tpu.memref_slice %arg5[%mul3A_2, %dma_start3A_14] : memref<512x1600xf32, #tpu.memory_space<hbm>> -> memref<16x256xf32, #tpu.memory_space<hbm>>
      %dma_start3A_16 = arith.constant 1280 : i32
      %dma_start3A_17 = tpu.memref_slice %arg5[%mul3A_2, %dma_start3A_16] : memref<512x1600xf32, #tpu.memory_space<hbm>> -> memref<16x256xf32, #tpu.memory_space<hbm>>
      %dma_start3A_18 = arith.constant 80 : i32
      %dma_start3A_19 = arith.constant 0 : i32
      %dma_start3A_20 = tpu.memref_slice %arg7[%dma_start3A_18, %dma_start3A_19] : memref<96x256xf32, #tpu.memory_space<vmem>> -> memref<16x256xf32, #tpu.memory_space<vmem>>
      tpu.enqueue_dma source(%dma_start3A_20 : memref<16x256xf32, #tpu.memory_space<vmem>>) target(%dma_start3A_17 : memref<16x256xf32, #tpu.memory_space<hbm>>) target_semaphore(%run_scoped3A : memref<!tpu.dma_semaphore, #tpu.memory_space<semaphore_mem>>)
      %dma_wait3A_21 = arith.constant 80 : i32
      %dma_wait3A_22 = arith.constant 0 : i32
      %dma_wait3A_23 = tpu.memref_slice %arg7[%dma_wait3A_21, %dma_wait3A_22] : memref<96x256xf32, #tpu.memory_space<vmem>> -> memref<16x256xf32, #tpu.memory_space<vmem>>
      %dma_wait3A_24 = arith.constant 1280 : i32
      %dma_wait3A_25 = tpu.memref_slice %arg5[%mul3A_2, %dma_wait3A_24] : memref<512x1600xf32, #tpu.memory_space<hbm>> -> memref<16x256xf32, #tpu.memory_space<hbm>>
      %dma_wait3A_26 = arith.constant 1280 : i32
      %dma_wait3A_27 = tpu.memref_slice %arg5[%mul3A_2, %dma_wait3A_26] : memref<512x1600xf32, #tpu.memory_space<hbm>> -> memref<16x256xf32, #tpu.memory_space<hbm>>
      %dma_wait3A_28 = arith.constant 80 : i32
      %dma_wait3A_29 = arith.constant 0 : i32
      %dma_wait3A_30 = tpu.memref_slice %arg7[%dma_wait3A_28, %dma_wait3A_29] : memref<96x256xf32, #tpu.memory_space<vmem>> -> memref<16x256xf32, #tpu.memory_space<vmem>>
      tpu.wait_dma2 semaphore(%run_scoped3A : memref<!tpu.dma_semaphore, #tpu.memory_space<semaphore_mem>>) src(%dma_wait3A_30 : memref<16x256xf32, #tpu.memory_space<vmem>>) dst(%dma_wait3A_27 : memref<16x256xf32, #tpu.memory_space<hbm>>)
      tpu.yield
    }) : () -> ()
    "tpu.region"() ({
      %run_scoped3A = tpu.sem_alloc : memref<!tpu.dma_semaphore, #tpu.memory_space<semaphore_mem>>
      %dma_start3A_11 = arith.constant 1536 : i32
      %dma_start3A_12 = tpu.memref_slice %arg5[%mul3A_2, %dma_start3A_11] : memref<512x1600xf32, #tpu.memory_space<hbm>> -> memref<16x64xf32, #tpu.memory_space<hbm>>
      %dma_start3A_13 = arith.constant 1536 : i32
      %dma_start3A_14 = tpu.memref_slice %arg5[%mul3A_2, %dma_start3A_13] : memref<512x1600xf32, #tpu.memory_space<hbm>> -> memref<16x64xf32, #tpu.memory_space<hbm>>
      tpu.enqueue_dma source(%arg8 : memref<16x64xf32, #tpu.memory_space<vmem>>) target(%dma_start3A_14 : memref<16x64xf32, #tpu.memory_space<hbm>>) target_semaphore(%run_scoped3A : memref<!tpu.dma_semaphore, #tpu.memory_space<semaphore_mem>>)
      %dma_wait3A_15 = arith.constant 1536 : i32
      %dma_wait3A_16 = tpu.memref_slice %arg5[%mul3A_2, %dma_wait3A_15] : memref<512x1600xf32, #tpu.memory_space<hbm>> -> memref<16x64xf32, #tpu.memory_space<hbm>>
      %dma_wait3A_17 = arith.constant 1536 : i32
      %dma_wait3A_18 = tpu.memref_slice %arg5[%mul3A_2, %dma_wait3A_17] : memref<512x1600xf32, #tpu.memory_space<hbm>> -> memref<16x64xf32, #tpu.memory_space<hbm>>
      tpu.wait_dma2 semaphore(%run_scoped3A : memref<!tpu.dma_semaphore, #tpu.memory_space<semaphore_mem>>) src(%arg8 : memref<16x64xf32, #tpu.memory_space<vmem>>) dst(%dma_wait3A_18 : memref<16x64xf32, #tpu.memory_space<hbm>>)
      tpu.yield
    }) : () -> ()
    return
  }
}

module attributes {stable_mosaic.version = 14 : i64} {
  func.func @_scores_body(%arg0: i32, %arg1: memref<1x2048x192xf32, #tpu.memory_space<vmem>>, %arg2: memref<192x16xf32, #tpu.memory_space<vmem>>, %arg3: memref<2048x16xf32, #tpu.memory_space<vmem>>, %arg4: memref<1x2048x1xf32, #tpu.memory_space<vmem>>, %arg5: memref<1x2048x256xf32, #tpu.memory_space<vmem>>) attributes {dimension_semantics = [#tpu.dimension_semantics<arbitrary>], iteration_bounds = array<i64: 16>, scalar_prefetch = 0 : i64, scratch_operands = 0 : i64, tpu.core_type = #tpu.core_type<tc>, window_params = [{transform_indices = @transform_0, window_bounds = array<i64: 1, 2048, 192>}, {pipeline_mode = #tpu.pipeline_mode<synchronous>, transform_indices = @transform_1, window_bounds = array<i64: 192, 16>}, {pipeline_mode = #tpu.pipeline_mode<synchronous>, transform_indices = @transform_2, window_bounds = array<i64: 2048, 16>}, {transform_indices = @transform_3, window_bounds = array<i64: 1, 2048, 1>}, {transform_indices = @transform_4, window_bounds = array<i64: 1, 2048, 256>}]} {
    %get3A = arith.constant 0 : index
    %get3A_0 = arith.constant 0 : index
    %get3A_1 = arith.constant 0 : index
    %get3A_2 = vector.load %arg1[%get3A, %get3A_0, %get3A_1] : memref<1x2048x192xf32, #tpu.memory_space<vmem>>, vector<1x2048x192xf32>
    %get3A_3 = vector.shape_cast %get3A_2 : vector<1x2048x192xf32> to vector<2048x192xf32>
    %convert_element_type3A = arith.truncf %get3A_3 : vector<2048x192xf32> to vector<2048x192xbf16>
    %get3A_4 = arith.constant 0 : index
    %get3A_5 = arith.constant 0 : index
    %get3A_6 = vector.load %arg2[%get3A_4, %get3A_5] : memref<192x16xf32, #tpu.memory_space<vmem>>, vector<192x16xf32>
    %convert_element_type3A_7 = arith.truncf %get3A_6 : vector<192x16xf32> to vector<192x16xbf16>
    %dot_general3A = arith.constant dense<0.000000e+00> : vector<2048x16xf32>
    %dot_general3A_8 = tpu.matmul %convert_element_type3A, %convert_element_type3A_7, %dot_general3A {dimension_numbers = #tpu.dot_dimension_numbers<[1], [0], [0], [1], [0, 0, 1, 1], [], []>, transpose_lhs_hint = false} : vector<2048x192xbf16>, vector<192x16xbf16>, vector<2048x16xf32> -> vector<2048x16xf32>
    %get3A_9 = arith.constant 0 : index
    %get3A_10 = arith.constant 0 : index
    %get3A_11 = vector.load %arg3[%get3A_9, %get3A_10] : memref<2048x16xf32, #tpu.memory_space<vmem>>, vector<2048x16xf32>
    %mul3A = arith.mulf %dot_general3A_8, %get3A_11 : vector<2048x16xf32>
    %reduce_sum3A = arith.constant dense<0.000000e+00> : vector<2048xf32>
    %reduce_sum3A_12 = vector.multi_reduction <add>, %mul3A, %reduce_sum3A [1] : vector<2048x16xf32> to vector<2048xf32>
    %broadcast_in_dim3A = vector.shape_cast %reduce_sum3A_12 : vector<2048xf32> to vector<2048x1xf32>
    %swap3A = arith.constant 0 : index
    %swap3A_13 = arith.constant 0 : index
    %swap3A_14 = arith.constant 0 : index
    %swap3A_15 = vector.load %arg4[%swap3A, %swap3A_13, %swap3A_14] : memref<1x2048x1xf32, #tpu.memory_space<vmem>>, vector<1x2048x1xf32>
    %swap3A_16 = vector.shape_cast %swap3A_15 : vector<1x2048x1xf32> to vector<2048x1xf32>
    %swap3A_17 = vector.shape_cast %broadcast_in_dim3A : vector<2048x1xf32> to vector<1x2048x1xf32>
    tpu.vector_store %arg4[%swap3A, %swap3A_13, %swap3A_14], %swap3A_17 {strides = array<i32>} : memref<1x2048x1xf32, #tpu.memory_space<vmem>>, vector<1x2048x1xf32>,
    %jit3A = arith.constant 0 : i32
    %convert_element_type3A_18 = arith.sitofp %jit3A : i32 to f32
    %pad3A = vector.broadcast %convert_element_type3A_18 : f32 to vector<2048x64xf32>
    %pad3A_19 = tpu.concatenate %get3A_3, %pad3A in 1 : vector<2048x192xf32>, vector<2048x64xf32> -> vector<2048x256xf32>
    %swap3A_20 = arith.constant 0 : index
    %swap3A_21 = arith.constant 0 : index
    %swap3A_22 = arith.constant 0 : index
    %swap3A_23 = vector.load %arg5[%swap3A_20, %swap3A_21, %swap3A_22] : memref<1x2048x256xf32, #tpu.memory_space<vmem>>, vector<1x2048x256xf32>
    %swap3A_24 = vector.shape_cast %swap3A_23 : vector<1x2048x256xf32> to vector<2048x256xf32>
    %swap3A_25 = vector.shape_cast %pad3A_19 : vector<2048x256xf32> to vector<1x2048x256xf32>
    tpu.vector_store %arg5[%swap3A_20, %swap3A_21, %swap3A_22], %swap3A_25 {strides = array<i32>} : memref<1x2048x256xf32, #tpu.memory_space<vmem>>, vector<1x2048x256xf32>,
    return
  }
  func.func @transform_0(%arg0: i32) -> (i32, i32, i32) {
    %c0_i32 = arith.constant 0 : i32
    %c0_i32_0 = arith.constant 0 : i32
    %c0_i32_1 = arith.constant 0 : i32
    return %arg0, %c0_i32, %c0_i32_0 : i32, i32, i32
  }
  func.func @transform_1(%arg0: i32) -> (i32, i32) {
    %c0_i32 = arith.constant 0 : i32
    %c0_i32_0 = arith.constant 0 : i32
    %c0_i32_1 = arith.constant 0 : i32
    return %c0_i32, %c0_i32_0 : i32, i32
  }
  func.func @transform_2(%arg0: i32) -> (i32, i32) {
    %c0_i32 = arith.constant 0 : i32
    %c0_i32_0 = arith.constant 0 : i32
    %c0_i32_1 = arith.constant 0 : i32
    return %c0_i32, %c0_i32_0 : i32, i32
  }
  func.func @transform_3(%arg0: i32) -> (i32, i32, i32) {
    %c0_i32 = arith.constant 0 : i32
    %c0_i32_0 = arith.constant 0 : i32
    %c0_i32_1 = arith.constant 0 : i32
    return %arg0, %c0_i32, %c0_i32_0 : i32, i32, i32
  }
  func.func @transform_4(%arg0: i32) -> (i32, i32, i32) {
    %c0_i32 = arith.constant 0 : i32
    %c0_i32_0 = arith.constant 0 : i32
    %c0_i32_1 = arith.constant 0 : i32
    return %arg0, %c0_i32, %c0_i32_0 : i32, i32, i32
  }
}

module attributes {stable_mosaic.version = 14 : i64} {
  func.func @_select_body(%arg0: memref<512x64xf32, #tpu.memory_space<vmem>>, %arg1: memref<512x64xf32, #tpu.memory_space<vmem>>, %arg2: memref<512x6xi32, #tpu.memory_space<vmem>>) attributes {dimension_semantics = [], scalar_prefetch = 0 : i64, scratch_operands = 0 : i64, tpu.core_type = #tpu.core_type<tc>} {
    %get3A = arith.constant 0 : index
    %get3A_0 = arith.constant 0 : index
    %get3A_1 = vector.load %arg0[%get3A, %get3A_0] : memref<512x64xf32, #tpu.memory_space<vmem>>, vector<512x64xf32>
    %exp3A = math.exp %get3A_1 : vector<512x64xf32>
    %reduce_sum3A = arith.constant dense<0.000000e+00> : vector<512xf32>
    %reduce_sum3A_2 = vector.multi_reduction <add>, %exp3A, %reduce_sum3A [1] : vector<512x64xf32> to vector<512xf32>
    %broadcast_in_dim3A = vector.shape_cast %reduce_sum3A_2 : vector<512xf32> to vector<512x1xf32>
    %div3A = vector.broadcast %broadcast_in_dim3A : vector<512x1xf32> to vector<512x64xf32>
    %div3A_3 = arith.divf %exp3A, %div3A : vector<512x64xf32>
    %iota3A = tpu.iota {dimensions = array<i32: 1>} : vector<512x64xi32>
    %broadcast_in_dim3A_4 = arith.constant 0.000000e+00 : f32
    %broadcast_in_dim3A_5 = vector.broadcast %broadcast_in_dim3A_4 : f32 to vector<512x64xf32>
    %reduce_max3A = arith.constant dense<0xFF800000> : vector<512xf32>
    %reduce_max3A_6 = vector.multi_reduction <maximumf>, %div3A_3, %reduce_max3A [1] : vector<512x64xf32> to vector<512xf32>
    %broadcast_in_dim3A_7 = vector.shape_cast %reduce_max3A_6 : vector<512xf32> to vector<512x1xf32>
    %eq3A = vector.broadcast %broadcast_in_dim3A_7 : vector<512x1xf32> to vector<512x64xf32>
    %eq3A_8 = arith.cmpf oeq, %div3A_3, %eq3A : vector<512x64xf32>
    %jit3A = arith.constant 64 : i32
    %broadcast_in_dim3A_9 = vector.broadcast %jit3A : i32 to vector<512x64xi32>
    %select_n3A = arith.select %eq3A_8, %iota3A, %broadcast_in_dim3A_9 : vector<512x64xi1>, vector<512x64xi32>
    %reduce_min3A = arith.constant dense<2147483647> : vector<512xi32>
    %reduce_min3A_10 = vector.multi_reduction <minsi>, %select_n3A, %reduce_min3A [1] : vector<512x64xi32> to vector<512xi32>
    %broadcast_in_dim3A_11 = vector.shape_cast %reduce_min3A_10 : vector<512xi32> to vector<512x1xi32>
    %eq3A_12 = vector.broadcast %broadcast_in_dim3A_11 : vector<512x1xi32> to vector<512x64xi32>
    %eq3A_13 = arith.cmpi eq, %iota3A, %eq3A_12 : vector<512x64xi32>
    %convert_element_type3A = arith.extui %eq3A_13 : vector<512x64xi1> to vector<512x64xi32>
    %convert_element_type3A_14 = arith.sitofp %convert_element_type3A : vector<512x64xi32> to vector<512x64xf32>
    %add3A = arith.addf %broadcast_in_dim3A_5, %convert_element_type3A_14 : vector<512x64xf32>
    %jit3A_15 = arith.constant 0xFF800000 : f32
    %broadcast_in_dim3A_16 = vector.broadcast %jit3A_15 : f32 to vector<512x64xf32>
    %select_n3A_17 = arith.select %eq3A_13, %broadcast_in_dim3A_16, %div3A_3 : vector<512x64xi1>, vector<512x64xf32>
    %reduce_max3A_18 = arith.constant dense<0xFF800000> : vector<512xf32>
    %reduce_max3A_19 = vector.multi_reduction <maximumf>, %select_n3A_17, %reduce_max3A_18 [1] : vector<512x64xf32> to vector<512xf32>
    %broadcast_in_dim3A_20 = vector.shape_cast %reduce_max3A_19 : vector<512xf32> to vector<512x1xf32>
    %eq3A_21 = vector.broadcast %broadcast_in_dim3A_20 : vector<512x1xf32> to vector<512x64xf32>
    %eq3A_22 = arith.cmpf oeq, %select_n3A_17, %eq3A_21 : vector<512x64xf32>
    %jit3A_23 = arith.constant 64 : i32
    %broadcast_in_dim3A_24 = vector.broadcast %jit3A_23 : i32 to vector<512x64xi32>
    %select_n3A_25 = arith.select %eq3A_22, %iota3A, %broadcast_in_dim3A_24 : vector<512x64xi1>, vector<512x64xi32>
    %reduce_min3A_26 = arith.constant dense<2147483647> : vector<512xi32>
    %reduce_min3A_27 = vector.multi_reduction <minsi>, %select_n3A_25, %reduce_min3A_26 [1] : vector<512x64xi32> to vector<512xi32>
    %broadcast_in_dim3A_28 = vector.shape_cast %reduce_min3A_27 : vector<512xi32> to vector<512x1xi32>
    %eq3A_29 = vector.broadcast %broadcast_in_dim3A_28 : vector<512x1xi32> to vector<512x64xi32>
    %eq3A_30 = arith.cmpi eq, %iota3A, %eq3A_29 : vector<512x64xi32>
    %convert_element_type3A_31 = arith.extui %eq3A_30 : vector<512x64xi1> to vector<512x64xi32>
    %convert_element_type3A_32 = arith.sitofp %convert_element_type3A_31 : vector<512x64xi32> to vector<512x64xf32>
    %add3A_33 = arith.addf %add3A, %convert_element_type3A_32 : vector<512x64xf32>
    %jit3A_34 = arith.constant 0xFF800000 : f32
    %broadcast_in_dim3A_35 = vector.broadcast %jit3A_34 : f32 to vector<512x64xf32>
    %select_n3A_36 = arith.select %eq3A_30, %broadcast_in_dim3A_35, %select_n3A_17 : vector<512x64xi1>, vector<512x64xf32>
    %reduce_max3A_37 = arith.constant dense<0xFF800000> : vector<512xf32>
    %reduce_max3A_38 = vector.multi_reduction <maximumf>, %select_n3A_36, %reduce_max3A_37 [1] : vector<512x64xf32> to vector<512xf32>
    %broadcast_in_dim3A_39 = vector.shape_cast %reduce_max3A_38 : vector<512xf32> to vector<512x1xf32>
    %eq3A_40 = vector.broadcast %broadcast_in_dim3A_39 : vector<512x1xf32> to vector<512x64xf32>
    %eq3A_41 = arith.cmpf oeq, %select_n3A_36, %eq3A_40 : vector<512x64xf32>
    %jit3A_42 = arith.constant 64 : i32
    %broadcast_in_dim3A_43 = vector.broadcast %jit3A_42 : i32 to vector<512x64xi32>
    %select_n3A_44 = arith.select %eq3A_41, %iota3A, %broadcast_in_dim3A_43 : vector<512x64xi1>, vector<512x64xi32>
    %reduce_min3A_45 = arith.constant dense<2147483647> : vector<512xi32>
    %reduce_min3A_46 = vector.multi_reduction <minsi>, %select_n3A_44, %reduce_min3A_45 [1] : vector<512x64xi32> to vector<512xi32>
    %broadcast_in_dim3A_47 = vector.shape_cast %reduce_min3A_46 : vector<512xi32> to vector<512x1xi32>
    %eq3A_48 = vector.broadcast %broadcast_in_dim3A_47 : vector<512x1xi32> to vector<512x64xi32>
    %eq3A_49 = arith.cmpi eq, %iota3A, %eq3A_48 : vector<512x64xi32>
    %convert_element_type3A_50 = arith.extui %eq3A_49 : vector<512x64xi1> to vector<512x64xi32>
    %convert_element_type3A_51 = arith.sitofp %convert_element_type3A_50 : vector<512x64xi32> to vector<512x64xf32>
    %add3A_52 = arith.addf %add3A_33, %convert_element_type3A_51 : vector<512x64xf32>
    %jit3A_53 = arith.constant 0xFF800000 : f32
    %broadcast_in_dim3A_54 = vector.broadcast %jit3A_53 : f32 to vector<512x64xf32>
    %select_n3A_55 = arith.select %eq3A_49, %broadcast_in_dim3A_54, %select_n3A_36 : vector<512x64xi1>, vector<512x64xf32>
    %reduce_max3A_56 = arith.constant dense<0xFF800000> : vector<512xf32>
    %reduce_max3A_57 = vector.multi_reduction <maximumf>, %select_n3A_55, %reduce_max3A_56 [1] : vector<512x64xf32> to vector<512xf32>
    %broadcast_in_dim3A_58 = vector.shape_cast %reduce_max3A_57 : vector<512xf32> to vector<512x1xf32>
    %eq3A_59 = vector.broadcast %broadcast_in_dim3A_58 : vector<512x1xf32> to vector<512x64xf32>
    %eq3A_60 = arith.cmpf oeq, %select_n3A_55, %eq3A_59 : vector<512x64xf32>
    %jit3A_61 = arith.constant 64 : i32
    %broadcast_in_dim3A_62 = vector.broadcast %jit3A_61 : i32 to vector<512x64xi32>
    %select_n3A_63 = arith.select %eq3A_60, %iota3A, %broadcast_in_dim3A_62 : vector<512x64xi1>, vector<512x64xi32>
    %reduce_min3A_64 = arith.constant dense<2147483647> : vector<512xi32>
    %reduce_min3A_65 = vector.multi_reduction <minsi>, %select_n3A_63, %reduce_min3A_64 [1] : vector<512x64xi32> to vector<512xi32>
    %broadcast_in_dim3A_66 = vector.shape_cast %reduce_min3A_65 : vector<512xi32> to vector<512x1xi32>
    %eq3A_67 = vector.broadcast %broadcast_in_dim3A_66 : vector<512x1xi32> to vector<512x64xi32>
    %eq3A_68 = arith.cmpi eq, %iota3A, %eq3A_67 : vector<512x64xi32>
    %convert_element_type3A_69 = arith.extui %eq3A_68 : vector<512x64xi1> to vector<512x64xi32>
    %convert_element_type3A_70 = arith.sitofp %convert_element_type3A_69 : vector<512x64xi32> to vector<512x64xf32>
    %add3A_71 = arith.addf %add3A_52, %convert_element_type3A_70 : vector<512x64xf32>
    %jit3A_72 = arith.constant 0xFF800000 : f32
    %broadcast_in_dim3A_73 = vector.broadcast %jit3A_72 : f32 to vector<512x64xf32>
    %select_n3A_74 = arith.select %eq3A_68, %broadcast_in_dim3A_73, %select_n3A_55 : vector<512x64xi1>, vector<512x64xf32>
    %reduce_max3A_75 = arith.constant dense<0xFF800000> : vector<512xf32>
    %reduce_max3A_76 = vector.multi_reduction <maximumf>, %select_n3A_74, %reduce_max3A_75 [1] : vector<512x64xf32> to vector<512xf32>
    %broadcast_in_dim3A_77 = vector.shape_cast %reduce_max3A_76 : vector<512xf32> to vector<512x1xf32>
    %eq3A_78 = vector.broadcast %broadcast_in_dim3A_77 : vector<512x1xf32> to vector<512x64xf32>
    %eq3A_79 = arith.cmpf oeq, %select_n3A_74, %eq3A_78 : vector<512x64xf32>
    %jit3A_80 = arith.constant 64 : i32
    %broadcast_in_dim3A_81 = vector.broadcast %jit3A_80 : i32 to vector<512x64xi32>
    %select_n3A_82 = arith.select %eq3A_79, %iota3A, %broadcast_in_dim3A_81 : vector<512x64xi1>, vector<512x64xi32>
    %reduce_min3A_83 = arith.constant dense<2147483647> : vector<512xi32>
    %reduce_min3A_84 = vector.multi_reduction <minsi>, %select_n3A_82, %reduce_min3A_83 [1] : vector<512x64xi32> to vector<512xi32>
    %broadcast_in_dim3A_85 = vector.shape_cast %reduce_min3A_84 : vector<512xi32> to vector<512x1xi32>
    %eq3A_86 = vector.broadcast %broadcast_in_dim3A_85 : vector<512x1xi32> to vector<512x64xi32>
    %eq3A_87 = arith.cmpi eq, %iota3A, %eq3A_86 : vector<512x64xi32>
    %convert_element_type3A_88 = arith.extui %eq3A_87 : vector<512x64xi1> to vector<512x64xi32>
    %convert_element_type3A_89 = arith.sitofp %convert_element_type3A_88 : vector<512x64xi32> to vector<512x64xf32>
    %add3A_90 = arith.addf %add3A_71, %convert_element_type3A_89 : vector<512x64xf32>
    %jit3A_91 = arith.constant 0xFF800000 : f32
    %broadcast_in_dim3A_92 = vector.broadcast %jit3A_91 : f32 to vector<512x64xf32>
    %select_n3A_93 = arith.select %eq3A_87, %broadcast_in_dim3A_92, %select_n3A_74 : vector<512x64xi1>, vector<512x64xf32>
    %reduce_max3A_94 = arith.constant dense<0xFF800000> : vector<512xf32>
    %reduce_max3A_95 = vector.multi_reduction <maximumf>, %select_n3A_93, %reduce_max3A_94 [1] : vector<512x64xf32> to vector<512xf32>
    %broadcast_in_dim3A_96 = vector.shape_cast %reduce_max3A_95 : vector<512xf32> to vector<512x1xf32>
    %eq3A_97 = vector.broadcast %broadcast_in_dim3A_96 : vector<512x1xf32> to vector<512x64xf32>
    %eq3A_98 = arith.cmpf oeq, %select_n3A_93, %eq3A_97 : vector<512x64xf32>
    %jit3A_99 = arith.constant 64 : i32
    %broadcast_in_dim3A_100 = vector.broadcast %jit3A_99 : i32 to vector<512x64xi32>
    %select_n3A_101 = arith.select %eq3A_98, %iota3A, %broadcast_in_dim3A_100 : vector<512x64xi1>, vector<512x64xi32>
    %reduce_min3A_102 = arith.constant dense<2147483647> : vector<512xi32>
    %reduce_min3A_103 = vector.multi_reduction <minsi>, %select_n3A_101, %reduce_min3A_102 [1] : vector<512x64xi32> to vector<512xi32>
    %broadcast_in_dim3A_104 = vector.shape_cast %reduce_min3A_103 : vector<512xi32> to vector<512x1xi32>
    %eq3A_105 = vector.broadcast %broadcast_in_dim3A_104 : vector<512x1xi32> to vector<512x64xi32>
    %eq3A_106 = arith.cmpi eq, %iota3A, %eq3A_105 : vector<512x64xi32>
    %convert_element_type3A_107 = arith.extui %eq3A_106 : vector<512x64xi1> to vector<512x64xi32>
    %convert_element_type3A_108 = arith.sitofp %convert_element_type3A_107 : vector<512x64xi32> to vector<512x64xf32>
    %add3A_109 = arith.addf %add3A_90, %convert_element_type3A_108 : vector<512x64xf32>
    %swap3A = arith.constant 0 : index
    %swap3A_110 = arith.constant 0 : index
    %swap3A_111 = vector.load %arg1[%swap3A, %swap3A_110] : memref<512x64xf32, #tpu.memory_space<vmem>>, vector<512x64xf32>
    tpu.vector_store %arg1[%swap3A, %swap3A_110], %add3A_109 {strides = array<i32>} : memref<512x64xf32, #tpu.memory_space<vmem>>, vector<512x64xf32>,
    %iota3A_112 = tpu.iota {dimensions = array<i32: 0>} : vector<512x1xi32>
    %and3A = arith.constant 31 : i32
    %and3A_113 = vector.broadcast %and3A : i32 to vector<512x1xi32>
    %and3A_114 = arith.andi %iota3A_112, %and3A_113 : vector<512x1xi32>
    %shift_right_arithmetic3A = arith.constant 5 : i32
    %shift_right_arithmetic3A_115 = vector.broadcast %shift_right_arithmetic3A : i32 to vector<512x1xi32>
    %shift_right_arithmetic3A_116 = arith.shrsi %iota3A_112, %shift_right_arithmetic3A_115 : vector<512x1xi32>
    %shift_right_arithmetic3A_117 = arith.constant 2 : i32
    %shift_right_arithmetic3A_118 = vector.broadcast %shift_right_arithmetic3A_117 : i32 to vector<512x1xi32>
    %shift_right_arithmetic3A_119 = arith.shrsi %shift_right_arithmetic3A_116, %shift_right_arithmetic3A_118 : vector<512x1xi32>
    %and3A_120 = arith.constant 3 : i32
    %and3A_121 = vector.broadcast %and3A_120 : i32 to vector<512x1xi32>
    %and3A_122 = arith.andi %shift_right_arithmetic3A_116, %and3A_121 : vector<512x1xi32>
    %mul3A = arith.constant 1024 : i32
    %mul3A_123 = vector.broadcast %mul3A : i32 to vector<512x1xi32>
    %mul3A_124 = arith.muli %and3A_114, %mul3A_123 : vector<512x1xi32>
    %mul3A_125 = arith.constant 256 : i32
    %mul3A_126 = vector.broadcast %mul3A_125 : i32 to vector<512x1xi32>
    %mul3A_127 = arith.muli %shift_right_arithmetic3A_119, %mul3A_126 : vector<512x1xi32>
    %add3A_128 = arith.addi %mul3A_124, %mul3A_127 : vector<512x1xi32>
    %mul3A_129 = arith.constant 8 : i32
    %mul3A_130 = vector.broadcast %mul3A_129 : i32 to vector<512x1xi32>
    %mul3A_131 = arith.muli %and3A_122, %mul3A_130 : vector<512x1xi32>
    %add3A_132 = arith.addi %add3A_128, %mul3A_131 : vector<512x1xi32>
    %gt3A = arith.constant 5.000000e-01 : f32
    %gt3A_133 = vector.broadcast %gt3A : f32 to vector<512x64xf32>
    %gt3A_134 = arith.cmpf ogt, %add3A_109, %gt3A_133 : vector<512x64xf32>
    %jit3A_135 = arith.constant 64 : i32
    %broadcast_in_dim3A_136 = vector.broadcast %jit3A_135 : i32 to vector<512x64xi32>
    %select_n3A_137 = arith.select %gt3A_134, %iota3A, %broadcast_in_dim3A_136 : vector<512x64xi1>, vector<512x64xi32>
    %reduce_min3A_138 = arith.constant dense<2147483647> : vector<512xi32>
    %reduce_min3A_139 = vector.multi_reduction <minsi>, %select_n3A_137, %reduce_min3A_138 [1] : vector<512x64xi32> to vector<512xi32>
    %broadcast_in_dim3A_140 = vector.shape_cast %reduce_min3A_139 : vector<512xi32> to vector<512x1xi32>
    %shift_right_arithmetic3A_141 = arith.constant 3 : i32
    %shift_right_arithmetic3A_142 = vector.broadcast %shift_right_arithmetic3A_141 : i32 to vector<512x1xi32>
    %shift_right_arithmetic3A_143 = arith.shrsi %broadcast_in_dim3A_140, %shift_right_arithmetic3A_142 : vector<512x1xi32>
    %mul3A_144 = arith.constant 32 : i32
    %mul3A_145 = vector.broadcast %mul3A_144 : i32 to vector<512x1xi32>
    %mul3A_146 = arith.muli %shift_right_arithmetic3A_143, %mul3A_145 : vector<512x1xi32>
    %add3A_147 = arith.addi %add3A_132, %mul3A_146 : vector<512x1xi32>
    %and3A_148 = arith.constant 7 : i32
    %and3A_149 = vector.broadcast %and3A_148 : i32 to vector<512x1xi32>
    %and3A_150 = arith.andi %broadcast_in_dim3A_140, %and3A_149 : vector<512x1xi32>
    %add3A_151 = arith.addi %add3A_147, %and3A_150 : vector<512x1xi32>
    %eq3A_152 = vector.broadcast %broadcast_in_dim3A_140 : vector<512x1xi32> to vector<512x64xi32>
    %eq3A_153 = arith.cmpi eq, %select_n3A_137, %eq3A_152 : vector<512x64xi32>
    %jit3A_154 = arith.constant 64 : i32
    %broadcast_in_dim3A_155 = vector.broadcast %jit3A_154 : i32 to vector<512x64xi32>
    %select_n3A_156 = arith.select %eq3A_153, %broadcast_in_dim3A_155, %select_n3A_137 : vector<512x64xi1>, vector<512x64xi32>
    %reduce_min3A_157 = arith.constant dense<2147483647> : vector<512xi32>
    %reduce_min3A_158 = vector.multi_reduction <minsi>, %select_n3A_156, %reduce_min3A_157 [1] : vector<512x64xi32> to vector<512xi32>
    %broadcast_in_dim3A_159 = vector.shape_cast %reduce_min3A_158 : vector<512xi32> to vector<512x1xi32>
    %shift_right_arithmetic3A_160 = arith.constant 3 : i32
    %shift_right_arithmetic3A_161 = vector.broadcast %shift_right_arithmetic3A_160 : i32 to vector<512x1xi32>
    %shift_right_arithmetic3A_162 = arith.shrsi %broadcast_in_dim3A_159, %shift_right_arithmetic3A_161 : vector<512x1xi32>
    %mul3A_163 = arith.constant 32 : i32
    %mul3A_164 = vector.broadcast %mul3A_163 : i32 to vector<512x1xi32>
    %mul3A_165 = arith.muli %shift_right_arithmetic3A_162, %mul3A_164 : vector<512x1xi32>
    %add3A_166 = arith.addi %add3A_132, %mul3A_165 : vector<512x1xi32>
    %and3A_167 = arith.constant 7 : i32
    %and3A_168 = vector.broadcast %and3A_167 : i32 to vector<512x1xi32>
    %and3A_169 = arith.andi %broadcast_in_dim3A_159, %and3A_168 : vector<512x1xi32>
    %add3A_170 = arith.addi %add3A_166, %and3A_169 : vector<512x1xi32>
    %eq3A_171 = vector.broadcast %broadcast_in_dim3A_159 : vector<512x1xi32> to vector<512x64xi32>
    %eq3A_172 = arith.cmpi eq, %select_n3A_156, %eq3A_171 : vector<512x64xi32>
    %jit3A_173 = arith.constant 64 : i32
    %broadcast_in_dim3A_174 = vector.broadcast %jit3A_173 : i32 to vector<512x64xi32>
    %select_n3A_175 = arith.select %eq3A_172, %broadcast_in_dim3A_174, %select_n3A_156 : vector<512x64xi1>, vector<512x64xi32>
    %reduce_min3A_176 = arith.constant dense<2147483647> : vector<512xi32>
    %reduce_min3A_177 = vector.multi_reduction <minsi>, %select_n3A_175, %reduce_min3A_176 [1] : vector<512x64xi32> to vector<512xi32>
    %broadcast_in_dim3A_178 = vector.shape_cast %reduce_min3A_177 : vector<512xi32> to vector<512x1xi32>
    %shift_right_arithmetic3A_179 = arith.constant 3 : i32
    %shift_right_arithmetic3A_180 = vector.broadcast %shift_right_arithmetic3A_179 : i32 to vector<512x1xi32>
    %shift_right_arithmetic3A_181 = arith.shrsi %broadcast_in_dim3A_178, %shift_right_arithmetic3A_180 : vector<512x1xi32>
    %mul3A_182 = arith.constant 32 : i32
    %mul3A_183 = vector.broadcast %mul3A_182 : i32 to vector<512x1xi32>
    %mul3A_184 = arith.muli %shift_right_arithmetic3A_181, %mul3A_183 : vector<512x1xi32>
    %add3A_185 = arith.addi %add3A_132, %mul3A_184 : vector<512x1xi32>
    %and3A_186 = arith.constant 7 : i32
    %and3A_187 = vector.broadcast %and3A_186 : i32 to vector<512x1xi32>
    %and3A_188 = arith.andi %broadcast_in_dim3A_178, %and3A_187 : vector<512x1xi32>
    %add3A_189 = arith.addi %add3A_185, %and3A_188 : vector<512x1xi32>
    %eq3A_190 = vector.broadcast %broadcast_in_dim3A_178 : vector<512x1xi32> to vector<512x64xi32>
    %eq3A_191 = arith.cmpi eq, %select_n3A_175, %eq3A_190 : vector<512x64xi32>
    %jit3A_192 = arith.constant 64 : i32
    %broadcast_in_dim3A_193 = vector.broadcast %jit3A_192 : i32 to vector<512x64xi32>
    %select_n3A_194 = arith.select %eq3A_191, %broadcast_in_dim3A_193, %select_n3A_175 : vector<512x64xi1>, vector<512x64xi32>
    %reduce_min3A_195 = arith.constant dense<2147483647> : vector<512xi32>
    %reduce_min3A_196 = vector.multi_reduction <minsi>, %select_n3A_194, %reduce_min3A_195 [1] : vector<512x64xi32> to vector<512xi32>
    %broadcast_in_dim3A_197 = vector.shape_cast %reduce_min3A_196 : vector<512xi32> to vector<512x1xi32>
    %shift_right_arithmetic3A_198 = arith.constant 3 : i32
    %shift_right_arithmetic3A_199 = vector.broadcast %shift_right_arithmetic3A_198 : i32 to vector<512x1xi32>
    %shift_right_arithmetic3A_200 = arith.shrsi %broadcast_in_dim3A_197, %shift_right_arithmetic3A_199 : vector<512x1xi32>
    %mul3A_201 = arith.constant 32 : i32
    %mul3A_202 = vector.broadcast %mul3A_201 : i32 to vector<512x1xi32>
    %mul3A_203 = arith.muli %shift_right_arithmetic3A_200, %mul3A_202 : vector<512x1xi32>
    %add3A_204 = arith.addi %add3A_132, %mul3A_203 : vector<512x1xi32>
    %and3A_205 = arith.constant 7 : i32
    %and3A_206 = vector.broadcast %and3A_205 : i32 to vector<512x1xi32>
    %and3A_207 = arith.andi %broadcast_in_dim3A_197, %and3A_206 : vector<512x1xi32>
    %add3A_208 = arith.addi %add3A_204, %and3A_207 : vector<512x1xi32>
    %eq3A_209 = vector.broadcast %broadcast_in_dim3A_197 : vector<512x1xi32> to vector<512x64xi32>
    %eq3A_210 = arith.cmpi eq, %select_n3A_194, %eq3A_209 : vector<512x64xi32>
    %jit3A_211 = arith.constant 64 : i32
    %broadcast_in_dim3A_212 = vector.broadcast %jit3A_211 : i32 to vector<512x64xi32>
    %select_n3A_213 = arith.select %eq3A_210, %broadcast_in_dim3A_212, %select_n3A_194 : vector<512x64xi1>, vector<512x64xi32>
    %reduce_min3A_214 = arith.constant dense<2147483647> : vector<512xi32>
    %reduce_min3A_215 = vector.multi_reduction <minsi>, %select_n3A_213, %reduce_min3A_214 [1] : vector<512x64xi32> to vector<512xi32>
    %broadcast_in_dim3A_216 = vector.shape_cast %reduce_min3A_215 : vector<512xi32> to vector<512x1xi32>
    %shift_right_arithmetic3A_217 = arith.constant 3 : i32
    %shift_right_arithmetic3A_218 = vector.broadcast %shift_right_arithmetic3A_217 : i32 to vector<512x1xi32>
    %shift_right_arithmetic3A_219 = arith.shrsi %broadcast_in_dim3A_216, %shift_right_arithmetic3A_218 : vector<512x1xi32>
    %mul3A_220 = arith.constant 32 : i32
    %mul3A_221 = vector.broadcast %mul3A_220 : i32 to vector<512x1xi32>
    %mul3A_222 = arith.muli %shift_right_arithmetic3A_219, %mul3A_221 : vector<512x1xi32>
    %add3A_223 = arith.addi %add3A_132, %mul3A_222 : vector<512x1xi32>
    %and3A_224 = arith.constant 7 : i32
    %and3A_225 = vector.broadcast %and3A_224 : i32 to vector<512x1xi32>
    %and3A_226 = arith.andi %broadcast_in_dim3A_216, %and3A_225 : vector<512x1xi32>
    %add3A_227 = arith.addi %add3A_223, %and3A_226 : vector<512x1xi32>
    %eq3A_228 = vector.broadcast %broadcast_in_dim3A_216 : vector<512x1xi32> to vector<512x64xi32>
    %eq3A_229 = arith.cmpi eq, %select_n3A_213, %eq3A_228 : vector<512x64xi32>
    %jit3A_230 = arith.constant 64 : i32
    %broadcast_in_dim3A_231 = vector.broadcast %jit3A_230 : i32 to vector<512x64xi32>
    %select_n3A_232 = arith.select %eq3A_229, %broadcast_in_dim3A_231, %select_n3A_213 : vector<512x64xi1>, vector<512x64xi32>
    %reduce_min3A_233 = arith.constant dense<2147483647> : vector<512xi32>
    %reduce_min3A_234 = vector.multi_reduction <minsi>, %select_n3A_232, %reduce_min3A_233 [1] : vector<512x64xi32> to vector<512xi32>
    %broadcast_in_dim3A_235 = vector.shape_cast %reduce_min3A_234 : vector<512xi32> to vector<512x1xi32>
    %shift_right_arithmetic3A_236 = arith.constant 3 : i32
    %shift_right_arithmetic3A_237 = vector.broadcast %shift_right_arithmetic3A_236 : i32 to vector<512x1xi32>
    %shift_right_arithmetic3A_238 = arith.shrsi %broadcast_in_dim3A_235, %shift_right_arithmetic3A_237 : vector<512x1xi32>
    %mul3A_239 = arith.constant 32 : i32
    %mul3A_240 = vector.broadcast %mul3A_239 : i32 to vector<512x1xi32>
    %mul3A_241 = arith.muli %shift_right_arithmetic3A_238, %mul3A_240 : vector<512x1xi32>
    %add3A_242 = arith.addi %add3A_132, %mul3A_241 : vector<512x1xi32>
    %and3A_243 = arith.constant 7 : i32
    %and3A_244 = vector.broadcast %and3A_243 : i32 to vector<512x1xi32>
    %and3A_245 = arith.andi %broadcast_in_dim3A_235, %and3A_244 : vector<512x1xi32>
    %add3A_246 = arith.addi %add3A_242, %and3A_245 : vector<512x1xi32>
    %concatenate3A = tpu.concatenate %add3A_151, %add3A_170, %add3A_189, %add3A_208, %add3A_227, %add3A_246 in 1 : vector<512x1xi32>, vector<512x1xi32>, vector<512x1xi32>, vector<512x1xi32>, vector<512x1xi32>, vector<512x1xi32> -> vector<512x6xi32>
    %swap3A_247 = arith.constant 0 : index
    %swap3A_248 = arith.constant 0 : index
    %swap3A_249 = vector.load %arg2[%swap3A_247, %swap3A_248] : memref<512x6xi32, #tpu.memory_space<vmem>>, vector<512x6xi32>
    tpu.vector_store %arg2[%swap3A_247, %swap3A_248], %concatenate3A {strides = array<i32>} : memref<512x6xi32, #tpu.memory_space<vmem>>, vector<512x6xi32>,
    return
  }
}

module attributes {stable_mosaic.version = 14 : i64} {
  func.func @_mlp_body(%arg0: memref<512x1600xf32, #tpu.memory_space<vmem>>, %arg1: memref<1216x1600xbf16, #tpu.memory_space<vmem>>, %arg2: memref<1x1216xf32, #tpu.memory_space<vmem>>, %arg3: memref<1280x1216xbf16, #tpu.memory_space<vmem>>, %arg4: memref<1x1280xf32, #tpu.memory_space<vmem>>, %arg5: memref<512x1280xbf16, #tpu.memory_space<vmem>>) attributes {dimension_semantics = [], scalar_prefetch = 0 : i64, scratch_operands = 0 : i64, tpu.core_type = #tpu.core_type<tc>} {
    %get3A = arith.constant 0 : index
    %get3A_0 = arith.constant 0 : index
    %get3A_1 = vector.load %arg0[%get3A, %get3A_0] : memref<512x1600xf32, #tpu.memory_space<vmem>>, vector<512x1600xf32>
    %convert_element_type3A = arith.truncf %get3A_1 : vector<512x1600xf32> to vector<512x1600xbf16>
    %get3A_2 = arith.constant 0 : index
    %get3A_3 = arith.constant 0 : index
    %get3A_4 = vector.load %arg1[%get3A_2, %get3A_3] : memref<1216x1600xbf16, #tpu.memory_space<vmem>>, vector<1216x1600xbf16>
    %dot_general3A = arith.constant dense<0.000000e+00> : vector<512x1216xf32>
    %dot_general3A_5 = tpu.matmul %convert_element_type3A, %get3A_4, %dot_general3A {dimension_numbers = #tpu.dot_dimension_numbers<[1], [1], [0], [0], [0, 0, 1, 0], [], []>, transpose_lhs_hint = false} : vector<512x1600xbf16>, vector<1216x1600xbf16>, vector<512x1216xf32> -> vector<512x1216xf32>
    %get3A_6 = arith.constant 0 : index
    %get3A_7 = arith.constant 0 : index
    %get3A_8 = vector.load %arg2[%get3A_6, %get3A_7] : memref<1x1216xf32, #tpu.memory_space<vmem>>, vector<1x1216xf32>
    %add3A = vector.broadcast %get3A_8 : vector<1x1216xf32> to vector<512x1216xf32>
    %add3A_9 = arith.addf %dot_general3A_5, %add3A : vector<512x1216xf32>
    %max3A = arith.constant 0.000000e+00 : f32
    %max3A_10 = vector.broadcast %max3A : f32 to vector<512x1216xf32>
    %max3A_11 = arith.maximumf %add3A_9, %max3A_10 : vector<512x1216xf32>
    %convert_element_type3A_12 = arith.truncf %max3A_11 : vector<512x1216xf32> to vector<512x1216xbf16>
    %get3A_13 = arith.constant 0 : index
    %get3A_14 = arith.constant 0 : index
    %get3A_15 = vector.load %arg3[%get3A_13, %get3A_14] : memref<1280x1216xbf16, #tpu.memory_space<vmem>>, vector<1280x1216xbf16>
    %dot_general3A_16 = arith.constant dense<0.000000e+00> : vector<512x1280xf32>
    %dot_general3A_17 = tpu.matmul %convert_element_type3A_12, %get3A_15, %dot_general3A_16 {dimension_numbers = #tpu.dot_dimension_numbers<[1], [1], [0], [0], [0, 0, 1, 0], [], []>, transpose_lhs_hint = false} : vector<512x1216xbf16>, vector<1280x1216xbf16>, vector<512x1280xf32> -> vector<512x1280xf32>
    %get3A_18 = arith.constant 0 : index
    %get3A_19 = arith.constant 0 : index
    %get3A_20 = vector.load %arg4[%get3A_18, %get3A_19] : memref<1x1280xf32, #tpu.memory_space<vmem>>, vector<1x1280xf32>
    %add3A_21 = vector.broadcast %get3A_20 : vector<1x1280xf32> to vector<512x1280xf32>
    %add3A_22 = arith.addf %dot_general3A_17, %add3A_21 : vector<512x1280xf32>
    %convert_element_type3A_23 = arith.truncf %add3A_22 : vector<512x1280xf32> to vector<512x1280xbf16>
    %swap3A = arith.constant 0 : index
    %swap3A_24 = arith.constant 0 : index
    %swap3A_25 = vector.load %arg5[%swap3A, %swap3A_24] : memref<512x1280xbf16, #tpu.memory_space<vmem>>, vector<512x1280xbf16>
    tpu.vector_store %arg5[%swap3A, %swap3A_24], %convert_element_type3A_23 {strides = array<i32>} : memref<512x1280xbf16, #tpu.memory_space<vmem>>, vector<512x1280xbf16>,
    return
  }
}

module attributes {stable_mosaic.version = 14 : i64} {
  func.func @_outconv_body(%arg0: i32, %arg1: memref<1x32x64x20xbf16, #tpu.memory_space<vmem>>, %arg2: memref<20x192xf32, #tpu.memory_space<vmem>>, %arg3: memref<32x1x8x1x8x192xf32, #tpu.memory_space<vmem>>) attributes {dimension_semantics = [#tpu.dimension_semantics<arbitrary>], iteration_bounds = array<i64: 16>, scalar_prefetch = 0 : i64, scratch_operands = 0 : i64, tpu.core_type = #tpu.core_type<tc>, window_params = [{transform_indices = @transform_0, window_bounds = array<i64: 1, 32, 64, 20>}, {pipeline_mode = #tpu.pipeline_mode<synchronous>, transform_indices = @transform_1, window_bounds = array<i64: 20, 192>}, {transform_indices = @transform_2, window_bounds = array<i64: 32, 1, 8, 1, 8, 192>}]} {
    %get3A = arith.constant 0 : index
    %get3A_0 = arith.constant 0 : index
    %get3A_1 = arith.constant 0 : index
    %get3A_2 = arith.constant 0 : index
    %get3A_3 = vector.load %arg1[%get3A, %get3A_0, %get3A_1, %get3A_2] : memref<1x32x64x20xbf16, #tpu.memory_space<vmem>>, vector<1x32x64x20xbf16>
    %get3A_4 = vector.shape_cast %get3A_3 : vector<1x32x64x20xbf16> to vector<32x64x20xbf16>
    %reshape3A = vector.shape_cast %get3A_4 : vector<32x64x20xbf16> to vector<2048x20xbf16>
    %get3A_5 = arith.constant 0 : index
    %get3A_6 = arith.constant 0 : index
    %get3A_7 = vector.load %arg2[%get3A_5, %get3A_6] : memref<20x192xf32, #tpu.memory_space<vmem>>, vector<20x192xf32>
    %convert_element_type3A = arith.truncf %get3A_7 : vector<20x192xf32> to vector<20x192xbf16>
    %dot_general3A = arith.constant dense<0.000000e+00> : vector<2048x192xf32>
    %dot_general3A_8 = tpu.matmul %reshape3A, %convert_element_type3A, %dot_general3A {dimension_numbers = #tpu.dot_dimension_numbers<[1], [0], [0], [1], [0, 0, 1, 1], [], []>, transpose_lhs_hint = false} : vector<2048x20xbf16>, vector<20x192xbf16>, vector<2048x192xf32> -> vector<2048x192xf32>
    %reshape3A_9 = vector.shape_cast %dot_general3A_8 : vector<2048x192xf32> to vector<32x1x8x1x8x192xf32>
    %swap3A = arith.constant 0 : index
    %swap3A_10 = arith.constant 0 : index
    %swap3A_11 = arith.constant 0 : index
    %swap3A_12 = arith.constant 0 : index
    %swap3A_13 = arith.constant 0 : index
    %swap3A_14 = arith.constant 0 : index
    %swap3A_15 = vector.load %arg3[%swap3A, %swap3A_10, %swap3A_11, %swap3A_12, %swap3A_13, %swap3A_14] : memref<32x1x8x1x8x192xf32, #tpu.memory_space<vmem>>, vector<32x1x8x1x8x192xf32>
    tpu.vector_store %arg3[%swap3A, %swap3A_10, %swap3A_11, %swap3A_12, %swap3A_13, %swap3A_14], %reshape3A_9 {strides = array<i32>} : memref<32x1x8x1x8x192xf32, #tpu.memory_space<vmem>>, vector<32x1x8x1x8x192xf32>,
    return
  }
  func.func @transform_0(%arg0: i32) -> (i32, i32, i32, i32) {
    %c0_i32 = arith.constant 0 : i32
    %c0_i32_0 = arith.constant 0 : i32
    %c0_i32_1 = arith.constant 0 : i32
    %c0_i32_2 = arith.constant 0 : i32
    return %arg0, %c0_i32, %c0_i32_0, %c0_i32_1 : i32, i32, i32, i32
  }
  func.func @transform_1(%arg0: i32) -> (i32, i32) {
    %c0_i32 = arith.constant 0 : i32
    %c0_i32_0 = arith.constant 0 : i32
    %c0_i32_1 = arith.constant 0 : i32
    return %c0_i32, %c0_i32_0 : i32, i32
  }
  func.func @transform_2(%arg0: i32) -> (i32, i32, i32, i32, i32, i32) {
    %jit3A = arith.constant 4 : i32
    %div3A = arith.divsi %arg0, %jit3A : i32
    %sign3A = arith.constant 0 : i32
    %sign3A_0 = arith.cmpi sgt, %arg0, %sign3A : i32
    %sign3A_1 = arith.extui %sign3A_0 : i1 to i32
    %sign3A_2 = arith.constant 0 : i32
    %sign3A_3 = arith.cmpi slt, %arg0, %sign3A_2 : i32
    %sign3A_4 = arith.extui %sign3A_3 : i1 to i32
    %sign3A_5 = arith.subi %sign3A_1, %sign3A_4 : i32
    %sign3A_6 = arith.constant 0 : i32
    %sign3A_7 = arith.cmpi sgt, %jit3A, %sign3A_6 : i32
    %sign3A_8 = arith.extui %sign3A_7 : i1 to i32
    %sign3A_9 = arith.constant 0 : i32
    %sign3A_10 = arith.cmpi slt, %jit3A, %sign3A_9 : i32
    %sign3A_11 = arith.extui %sign3A_10 : i1 to i32
    %sign3A_12 = arith.subi %sign3A_8, %sign3A_11 : i32
    %ne3A = arith.cmpi ne, %sign3A_5, %sign3A_12 : i32
    %rem3A = arith.remsi %arg0, %jit3A : i32
    %ne3A_13 = arith.constant 0 : i32
    %ne3A_14 = arith.cmpi ne, %rem3A, %ne3A_13 : i32
    %and3A = arith.andi %ne3A, %ne3A_14 : i1
    %sub3A = arith.constant 1 : i32
    %sub3A_15 = arith.subi %div3A, %sub3A : i32
    %select_n3A = arith.select %and3A, %sub3A_15, %div3A : i32
    %jit3A_16 = arith.constant 4 : i32
    %eq3A = arith.constant 0 : i32
    %eq3A_17 = arith.cmpi eq, %jit3A_16, %eq3A : i32
    %jit3A_18 = arith.constant 1 : i32
    %select_n3A_19 = arith.select %eq3A_17, %jit3A_18, %jit3A_16 : i32
    %rem3A_20 = arith.remsi %arg0, %select_n3A_19 : i32
    %ne3A_21 = arith.constant 0 : i32
    %ne3A_22 = arith.cmpi ne, %rem3A_20, %ne3A_21 : i32
    %lt3A = arith.constant 0 : i32
    %lt3A_23 = arith.cmpi slt, %rem3A_20, %lt3A : i32
    %lt3A_24 = arith.constant 0 : i32
    %lt3A_25 = arith.cmpi slt, %select_n3A_19, %lt3A_24 : i32
    %ne3A_26 = arith.xori %lt3A_23, %lt3A_25 : i1
    %and3A_27 = arith.andi %ne3A_26, %ne3A_22 : i1
    %add3A = arith.addi %rem3A_20, %select_n3A_19 : i32
    %select_n3A_28 = arith.select %and3A_27, %add3A, %rem3A_20 : i32
    %c0_i32 = arith.constant 0 : i32
    %c0_i32_29 = arith.constant 0 : i32
    %c0_i32_30 = arith.constant 0 : i32
    %c0_i32_31 = arith.constant 0 : i32
    %c0_i32_32 = arith.constant 0 : i32
    return %c0_i32, %select_n3A, %c0_i32_29, %select_n3A_28, %c0_i32_30, %c0_i32_31 : i32, i32, i32, i32, i32, i32
  }
}

</mosaic_0001>

<sc_bundles>
// kernel: kernel.7.cloned.1.call-start
scs
__scs_entry_jumppad:
0x0: {  	(pc) =	sbr.rel $0x88, $3  }
0x1: {  	(tag) =	ssettag $0x0;
	lr =	simm.s32 $0x1  }
0x2: {  	[smem:$0x3F9A] =	sst lr;
	_ =	strace $0xD0000000  }
0x3: {  	_ = 	snop  }
0x4: {  	_ = 	snop  }
0x5: {  	_ = 	snop  }
0x6: {  	_ = 	snop  }
0x7: {  	_ = 	snop  }
__scs_overlays_trampoline_lowered:
0x8: {  	[smem:$0x3FA9] =	sst s0  }
0x9: {  	[smem:$0x3FAA] =	sst s1  }
0xa: {  	[smem:$0x3FAB] =	sst s2  }
0xb: {  	[smem:$0x3FAC] =	sst s3  }
0xc: {  	[smem:$0x3FAD] =	sst s4  }
0xd: {  	[smem:$0x3FAE] =	sst s5  }
0xe: {  	[smem:$0x3FAF] =	sst s6  }
0xf: {  	[smem:$0x3FB0] =	sst s7  }
0x10: {  	[smem:$0x3FB1] =	sst s8  }
0x11: {  	[smem:$0x3FB2] =	sst s9;
	s0 =	simm.s32 @!p0 $0x0  }
0x12: {  	s1 =	sld [smem:$0x3F98];
	s0 =	simm.s32 @p0 $0x1  }
0x13: {  	[smem:$0x3FB3] =	sst s0;
	s0 =	simm.s32 @!p1 $0x0  }
0x14: {  	s2 =	sld [smem:$0x3F97];
	s0 =	simm.s32 @p1 $0x1  }
0x15: {  	[smem:$0x3FB4] =	sst s0;
	s0 =	simm.s32 @!p2 $0x0  }
0x16: {  	s3 =	sld [smem:$0x3FDB];
	s0 =	simm.s32 @p2 $0x1  }
0x17: {  	s4 =	simm.s32 $0x1BF5;
	[smem:$0x3FB6] =	sst s0  }
0x18: {  	s0 =	sld [smem:$0x3F99];
	_ =	swait.ge [sflag:s4], $0x0  }
0x19: {  	s7 =	sld [smem:$0x3F9A]  }
0x1a: {  	s8 =	sadd.s32 $0xFFFFE003, lr  }
0x1b: {  	s9 =	sadd.s32 $0xFFFFFEF7, lr;
	s5 =	simm.s32 $0xFFFFFFFF;
	p2 =	slt.u32 s8, $0xFFFFF086  }
0x1c: {  	p1 =	slt.u32 s9, $0xF7A;
	s5 =	simm.s32 @!p2 $0x0  }
0x1d: {  	s5 =	simm.s32 @p1 $0x1;
	p0 =	seq.s32 s7, s2  }
0x1e: {  	s7 =	smul.u32 @!p0 $0xF7A, s2;
	p2 =	seq.s32 @!p0 s5, $0x0  }
0x1f: {  	s9 =	smul.u32 $0xF7A, s1;
	s8 =	simm.s32 @!p0 $0x1BF5;
	p2 =	por !p2, p0  }
0x20: {  	[sflag:s8] =	ssyncset.s32 @!p0 $0xFFFFF086;
	s6 =	sadd.s32 @!p0 s3, s7;
	s7 =	simm.s32 @!p0 $0x108  }
0x21: {  	s3 =	sadd.s32 s3, s9;
	s6 =	sadd.s32 @!p0 $0x88, s6;
	s7 =	simm.s32 @p2 $0x1082  }
0x22: {  	[simem:s7], [sflag:s8] =	dma.local @!p0 [hbm:s6], $0xF7A  }
0x23: {  	s9 =	sor.u32 $0xD0000000, s2;
	s6 =	simm.s32 $0x108;
	_ =	swait.ge @!p0 [sflag:s8], $0x0  }
0x24: {  	s3 =	sadd.s32 $0x88, s3;
	s6 =	simm.s32 @!p1 $0x1082;
	[sflag:s4] =	ssyncset.s32 $0xFFFFF086  }
0x25: {  	[simem:s6], [sflag:s4] =	dma.local [hbm:s3], $0xF7A  }
0x26: {  	[smem:$0x3F9A] =	sst s1;
	(tag) =	ssettag s2;
	_ =	strace s9  }
0x27: {  	s1 =	sld [smem:$0x3FAA]  }
0x28: {  	s2 =	sld [smem:$0x3FAB]  }
0x29: {  	s4 =	sld [smem:$0x3FAD]  }
0x2a: {  	p0 =	seq.s32 s5, $0x0;
	s5 =	sld [smem:$0x3FAE]  }
0x2b: {  	s6 =	sld [smem:$0x3FAF]  }
0x2c: {  	s7 =	sld [smem:$0x3FB0]  }
0x2d: {  	s3 =	simm.s32 $0x108;
	s8 =	sld [smem:$0x3FB1]  }
0x2e: {  	s3 =	simm.s32 @!p0 $0x1082;
	s9 =	sld [smem:$0x3FB2]  }
0x2f: {  	lr =	sadd.s32 s0, s3;
	s0 =	sld [smem:$0x3FA9]  }
0x30: {  	s3 =	sld [smem:$0x3FAC]  }
0x31: {  	[smem:$0x3FB5] =	sst s10  }
0x32: {  	s10 =	sld [smem:$0x3FB3];
	_ =	sdelay $0x3  }
0x33: {  	p0 =	seq.s32 s10, $0x1;
	s10 =	sld [smem:$0x3FB5];
	_ =	sdelay $0x3  }
0x34: {  	[smem:$0x3FB5] =	sst s10  }
0x35: {  	s10 =	sld [smem:$0x3FB4];
	_ =	sdelay $0x3  }
0x36: {  	p1 =	seq.s32 s10, $0x1;
	s10 =	sld [smem:$0x3FB5];
	_ =	sdelay $0x3  }
0x37: {  	[smem:$0x3FB5] =	sst s10  }
0x38: {  	s10 =	sld [smem:$0x3FB6]  }
0x39: {  	_ = 	snop;
	(pc) =	sbr.ind lr, $3  }
0x3a: {  	_ = 	snop  }
0x3b: {  	_ = 	snop  }
0x3c: {  	p2 =	seq.s32 s10, $0x1;
	s10 =	sld [smem:$0x3FB5]  }
0x3d: {  	_ =	shalt  }
0x3e: {  	_ =	shalt  }
0x3f: {  	_ =	shalt  }
0x40: {  	_ =	shalt  }
0x41: {  	_ =	shalt  }
0x42: {  	_ =	shalt  }
0x43: {  	_ =	shalt  }
0x44: {  	_ =	shalt  }
0x45: {  	_ =	shalt  }
0x46: {  	_ =	shalt  }
0x47: {  	_ =	shalt  }
0x48: {  	_ =	shalt  }
0x49: {  	_ =	shalt  }
0x4a: {  	_ =	shalt  }
0x4b: {  	_ =	shalt  }
0x4c: {  	_ =	shalt  }
0x4d: {  	_ =	shalt  }
0x4e: {  	_ =	shalt  }
0x4f: {  	_ =	shalt  }
0x50: {  	_ =	shalt  }
0x51: {  	_ =	shalt  }
0x52: {  	_ =	shalt  }
0x53: {  	_ =	shalt  }
0x54: {  	_ =	shalt  }
0x55: {  	_ =	shalt  }
0x56: {  	_ =	shalt  }
0x57: {  	_ =	shalt  }
0x58: {  	_ =	shalt  }
0x59: {  	_ =	shalt  }
0x5a: {  	_ =	shalt  }
0x5b: {  	_ =	shalt  }
0x5c: {  	_ =	shalt  }
0x5d: {  	_ =	shalt  }
0x5e: {  	_ =	shalt  }
0x5f: {  	_ =	shalt  }
0x60: {  	_ =	shalt  }
0x61: {  	_ =	shalt  }
0x62: {  	_ =	shalt  }
0x63: {  	_ =	shalt  }
0x64: {  	_ =	shalt  }
0x65: {  	_ =	shalt  }
0x66: {  	_ =	shalt  }
0x67: {  	_ =	shalt  }
0x68: {  	_ =	shalt  }
0x69: {  	_ =	shalt  }
0x6a: {  	_ =	shalt  }
0x6b: {  	_ =	shalt  }
0x6c: {  	_ =	shalt  }
0x6d: {  	_ =	shalt  }
0x6e: {  	_ =	shalt  }
0x6f: {  	_ =	shalt  }
0x70: {  	_ =	shalt  }
0x71: {  	_ =	shalt  }
0x72: {  	_ =	shalt  }
0x73: {  	_ =	shalt  }
0x74: {  	_ =	shalt  }
0x75: {  	_ =	shalt  }
0x76: {  	_ =	shalt  }
0x77: {  	_ =	shalt  }
0x78: {  	_ =	shalt  }
0x79: {  	_ =	shalt  }
0x7a: {  	_ =	shalt  }
0x7b: {  	_ =	shalt  }
0x7c: {  	_ =	shalt  }
0x7d: {  	_ =	shalt  }
0x7e: {  	_ =	shalt  }
0x7f: {  	_ =	shalt  }
0x80: {  	_ =	shalt  }
0x81: {  	_ =	shalt  }
0x82: {  	_ =	shalt  }
0x83: {  	_ =	shalt  }
0x84: {  	_ =	shalt  }
0x85: {  	_ =	shalt  }
0x86: {  	_ =	shalt  }
0x87: {  	_ =	shalt  }
.Lfunc_end0:
.L_simem_size_0:
called_computation_lowered:
.L_overlay_start_0:
0x88: {  	s2 =	sld [smem:$0x3FD9]  }
0x89: {  	s3 =	sld [smem:$0x3FFE];
	_ =	sdelay $0x1  }
0x8a: {  	s1 =	srdreg.scid  }
0x8b: {  	s0 =	sand.u32 $0x1, s1  }
0x8c: {  	s17 =	sshll.u32 s0, $0xA;
	s2 =	sadd.s32 s3, s2  }
0x8d: {  	s2 =	sadd.s32 s2, s17  }
0x8e: {  	[smem:$0x3FC1] =	sst s2  }
0x8f: {  	_ = 	snop  }
0x90: {  	s2 =	sld [smem:$0x3FD0];
	(tm) =	ssettm $0x1  }
0x91: {  	s18 =	sld [smem:$0x3FFB];
	_ =	sdelay $0x3  }
0x92: {  	_ =	strace s18  }
0x93: {  	s3 =	sld [smem:$0x3FFC];
	_ =	sdelay $0x3  }
0x94: {  	_ =	strace s3  }
0x95: {  	s3 =	sld [smem:$0x3FFD];
	_ =	sdelay $0x3  }
0x96: {  	_ =	strace s3  }
0x97: {  	_ =	strace $0x8FFFFFFF  }
0x98: {  	s19 =	sld [smem:$0x3FDB];
	_ =	sdelay $0x1  }
0x99: {  	s4 =	simm.s32 $_scs_section_size  }
0x9a: {  	s5 =	simm.s32 $_size__tile_overlayer_lowered;
	s6 =	simm.s32 $_tile_overlayer_lowered  }
0x9b: {  	s22 =	simm.s32 $0x1BFF;
	s21 =	sshll.u32 s6, $0x1;
	s3 =	sadd.s32 s4, s19  }
0x9c: {  	s7 =	simm.s32 $0x0;
	s20 =	sshll.u32 s5, $0x1;
	s5 =	sadd.s32 s21, s3  }
0x9d: {  	[timem:s7], [sflag:s22] =	dma.local [hbm:s5], s20  }
0x9e: {  	_ =	swait.ge [sflag:s22], s20  }
0x9f: {  	s4 =	ssub.s32 $0x0, s20;
	[sflag:s22] =	ssyncset.done $0x0  }
0xa0: {  	[sflag:s22] =	ssyncadd.s32 s4;
	_ =	sdelay $0x1  }
0xa1: {  	s23 =	simm.s32 $0x1B8B  }
0xa2: {  	_ =	swait.ge [sflag:s23], $0x1  }
0xa3: {  	[sflag:s23] =	ssyncset.done $0x0  }
0xa4: {  	s25 =	simm.s32 $0x1B8E;
	s24 =	sld [smem:$0x3FFE];
	[sflag:s23] =	ssyncadd.s32 $0xFFFFFFFF  }
0xa5: {  	s26 =	simm.s32 $execute0_lowered;
	[smem:$0x3FD2] =	sst s25  }
0xa6: {  	s5 =	sshll.u32 s26, $0x1;
	_ =	strace $0x80000046;
	[dreg:$0x1] =	wrdreg $0xFFFFFFFF  }
0xa7: {  	s28 =	simm.s32 $_size_execute0_lowered;
	s3 =	sadd.s32 s3, s5;
	[dreg:$0x0] =	wrdreg $0x0  }
0xa8: {  	s5 =	sshll.u32 s28, $0x1;
	[dreg:$0x2] =	wrdreg s3  }
0xa9: {  	[dreg:$0x3] =	wrdreg s5  }
0xaa: {  	[dreg:$0x4] =	wrdreg $0xC0  }
0xab: {  	_ =	task [dreg:s7], $0x5FFFF  }
0xac: {  	[dreg:$0x1] =	wrdreg $0xFFFFFFFF  }
0xad: {  	[dreg:$0x0] =	wrdreg $0x60  }
0xae: {  	[dreg:$0x2] =	wrdreg s2  }
0xaf: {  	[dreg:$0x3] =	wrdreg s24  }
0xb0: {  	[dreg:$0x4] =	wrdreg $0x9  }
0xb1: {  	_ =	task.clear_ibuf [dreg:s7], $0x5FFFF;
	_ =	strace $0x90000046  }
0xb2: {  	s29 =	simm.s32 $0x9;
	_ =	strace $0x80000048  }
0xb3: {  	_ =	swait.ge [sflag:s29], $0x1  }
0xb4: {  	[sflag:s29] =	ssyncadd.s32 $0xFFFFFFFF  }
0xb5: {  	_ =	strace $0x90000048  }
0xb6: {  	_ =	sfence  }
0xb7: {  	s30 =	sld [smem:$0x0];
	_ =	sdelay $0x2  }
0xb8: {  	s31 =	sshll.u32 s1, $0xD;
	s1 =	sshrl.u32 s1, $0x2  }
0xb9: {  	s3 =	sand.u32 $0x4000, s31;
	s1 =	sadd.s32 s1, s30  }
0xba: {  	s0 =	sor.u32 s3, s0;
	s1 =	sshll.u32 s1, $0x11  }
0xbb: {  	s0 =	sor.u32 s1, s0  }
0xbc: {  	s0 =	sadd.s32 $0x8F2B, s0  }
0xbd: {  	[sflag:s0] =	ssyncadd.remote.s32 $0x1  }
0xbe: {  	_ =	sfence.sel $0xFFFF  }
0xbf: {  	[dreg:$0x0] =	wrdreg $0xFFFFFFFF;
	(pc) =	sbr.abs _section_cstart, $3  }
0xc0: {  	[dreg:$0x1] =	wrdreg $0xFFFFFFFF  }
0xc1: {  	_ =	task.clear_ibuf [dreg:s7], $0x2FFFF;
	_ =	strace $0x9FFFFFFF  }
0xc2: {  	(tm) =	ssettm $0x7FFFFFFF  }
0xc3: {  	_ =	shalt  }
tec
execute0_lowered:
.L_overlay_start_1:
0x0: {  	(tag) =	ssettag $0x1  }
0x1: {  	s2 =	rddreg [dreg:$0x0];
	s1 =	srdreg.scid  }
0x2: {  	s0 =	stileid.u32;
	s4 =	rddreg [dreg:$0x1]  }
0x3: {  	s3 =	simm.s32 $0x0;
	s13 =	simm.s32 $0x2;
	s14 =	simm.s32 $0x6080  }
0x4: {  	s15 =	simm.s32 $0x80;
	s16 =	simm.s32 $0x880;
	s17 =	simm.s32 $0x1080  }
0x5: {  	s18 =	simm.s32 $0x1880;
	s19 =	simm.s32 $0x2080;
	s20 =	simm.s32 $0x2880  }
0x6: {  	s21 =	simm.s32 $0x3080;
	s22 =	simm.s32 $0x3880;
	s23 =	simm.s32 $0x4080  }
0x7: {  	s24 =	simm.s32 $0x4880;
	s25 =	simm.s32 $0x5080;
	s26 =	simm.s32 $0x5880  }
0x8: {  	s28 =	simm.s32 $0x1;
	s5 =	sand.u32 $0x1, s1;
	s6 =	sshll.u32 s0, $0x1  }
0x9: {  	s29 =	simm.s32 $0x800;
	s30 =	simm.s32 $0x3400;
	s6 =	sor.u32 s5, s6  }
0xa: {  	s31 =	simm.s32 $0x400;
	[smem:$0x7FF] =	sst s3;
	s7 =	smul.u32 $0xC, s6  }
0xb: {  	s5 =	ssub.s32 $0x2, s5;
	s8 =	sshll.u32 s6, $0x8;
	s6 =	smul.u32 $0x6800, s6  }
0xc: {  	_ =	strace $0x80000047;
	s9 =	sshrl.u32 s5, $0x1;
	s8 =	sadd.s32 s8, s4  }
0xd: {  	s12 =	ssub.s32 s5, s9;
	s7 =	sadd.s32 s7, s4;
	s6 =	sshrl.u32 s6, $0x3  }
0xe: {  	s12 =	smax.u32 s12, $0x1;
	s7 =	sadd.s32 $0x4600, s7;
	s11 =	sadd.s32 s6, s4  }
0xf: {  	v2 =	vlaneseq.u32;
	s4 =	sadd.s32 $0x2600, s8;
	[dreg:$0x3] =	wrdreg s7;
	s5 =	sadd.s32 $0x4800, s11  }
0x10: {  	vm0 =	vmmov $0xffff;
	v1 =	vshrl.u32 v2, $0x3;
	s6 =	sadd.s32 $0x4900, s11;
	s7 =	sadd.s32 $0x4A00, s11;
	s8 =	sadd.s32 $0x4B00, s11  }
0x11: {  	v0 =	vand.u32 $0x7, v2;
	v2 =	vor.u32 $0x8, v2;
	v1 =	vmul.u32 $0x8, v1;
	s9 =	sadd.s32 $0x4C00, s11;
	s10 =	sadd.s32 $0x4D00, s11;
	s11 =	sadd.s32 $0x4E00, s11  }
.LBB2_1:
0x12: {  	s1 =	rddreg [dreg:$0x3]  }
0x13: {  	[tilespmem:s3], [sflag:$0x2] =	stream.linear.gather [hbm4b:s1+s3], $0x60, $0x38;
	[tilespmem:$0x6880] =	vst v63  }
0x14: {  	_ =	swait.ge [sflag:s13], $0x60  }
0x15: {  	[sflag:s13] =	ssyncset.done $0x0  }
0x16: {  	[sflag:s13] =	ssyncadd.s32 $0xFFFFFFA0  }
0x17: {  	[tilespmem:s14], [sflag:$0x2] =	stream.linear.gather [hbm4b:s4+s3], $0x800, $0x38;
	[tilespmem:$0x6880] =	vst v63  }
0x18: {  	_ =	swait.ge [sflag:s13], $0x800  }
0x19: {  	[sflag:s13] =	ssyncset.done $0x0  }
0x1a: {  	[sflag:s13] =	ssyncadd.s32 $0xFFFFF800  }
0x1b: {  	v3 =	vld [tilespmem:$0x0];
	_ =	sdelay $0x4  }
0x1c: {  	v4 =	vshll.u32 v3, $0x1  }
0x1d: {  	v3 =	vand.u32 $0x7, v3;
	v4 =	vand.u32 $0xFFFFFFF0, v4  }
0x1e: {  	v3 =	vor.u32 v3, v4  }
0x1f: {  	v4 =	vperm.xlane v3, v0;
	_ =	sdelay $0x1  }
0x20: {  	v3 =	vperm.xlane v3, v2;
	v4 =	vadd.s32 v1, v4;
	_ =	sdelay $0x1  }
0x21: {  	v3 =	vadd.s32 v1, v3;
	_ =	sdelay $0x2  }
0x22: {  	[tilespmem:s15], [sflag:$0x1] =	stream.indirect_vreg.gather [hbm4b:s2+s3], $0x80, v4, vm0, $0xb8;
	[tilespmem:$0x6880] =	vst v63  }
0x23: {  	_ = 	snop  }
0x24: {  	[tilespmem:s16], [sflag:$0x1] =	stream.indirect_vreg.gather [hbm4b:s2+s3], $0x80, v3, vm0, $0xb8;
	[tilespmem:$0x6880] =	vst v63  }
0x25: {  	v3 =	vld [tilespmem:$0x10];
	_ =	sdelay $0x4  }
0x26: {  	v59 =	vshll.u32 v3, $0x1  }
0x27: {  	v3 =	vand.u32 $0x7, v3;
	v4 =	vand.u32 $0xFFFFFFF0, v59  }
0x28: {  	v3 =	vor.u32 v3, v4  }
0x29: {  	v4 =	vperm.xlane v3, v0;
	_ =	sdelay $0x1  }
0x2a: {  	v3 =	vperm.xlane v3, v2;
	v4 =	vadd.s32 v1, v4;
	_ =	sdelay $0x1  }
0x2b: {  	v3 =	vadd.s32 v1, v3;
	_ =	sdelay $0x2  }
0x2c: {  	[tilespmem:s17], [sflag:$0x1] =	stream.indirect_vreg.gather [hbm4b:s2+s3], $0x80, v4, vm0, $0xb8;
	[tilespmem:$0x6880] =	vst v63  }
0x2d: {  	_ = 	snop  }
0x2e: {  	[tilespmem:s18], [sflag:$0x1] =	stream.indirect_vreg.gather [hbm4b:s2+s3], $0x80, v3, vm0, $0xb8;
	[tilespmem:$0x6880] =	vst v63  }
0x2f: {  	v3 =	vld [tilespmem:$0x20];
	_ =	sdelay $0x4  }
0x30: {  	v60 =	vshll.u32 v3, $0x1  }
0x31: {  	v3 =	vand.u32 $0x7, v3;
	v4 =	vand.u32 $0xFFFFFFF0, v60  }
0x32: {  	v3 =	vor.u32 v3, v4  }
0x33: {  	v4 =	vperm.xlane v3, v0;
	_ =	sdelay $0x1  }
0x34: {  	v3 =	vperm.xlane v3, v2;
	v4 =	vadd.s32 v1, v4;
	_ =	sdelay $0x1  }
0x35: {  	v3 =	vadd.s32 v1, v3;
	_ =	sdelay $0x2  }
0x36: {  	[tilespmem:s19], [sflag:$0x1] =	stream.indirect_vreg.gather [hbm4b:s2+s3], $0x80, v4, vm0, $0xb8;
	[tilespmem:$0x6880] =	vst v63  }
0x37: {  	_ = 	snop  }
0x38: {  	[tilespmem:s20], [sflag:$0x1] =	stream.indirect_vreg.gather [hbm4b:s2+s3], $0x80, v3, vm0, $0xb8;
	[tilespmem:$0x6880] =	vst v63  }
0x39: {  	v3 =	vld [tilespmem:$0x30];
	_ =	sdelay $0x4  }
0x3a: {  	v61 =	vshll.u32 v3, $0x1  }
0x3b: {  	v3 =	vand.u32 $0x7, v3;
	v4 =	vand.u32 $0xFFFFFFF0, v61  }
0x3c: {  	v3 =	vor.u32 v3, v4  }
0x3d: {  	v4 =	vperm.xlane v3, v0;
	_ =	sdelay $0x1  }
0x3e: {  	v3 =	vperm.xlane v3, v2;
	v4 =	vadd.s32 v1, v4;
	_ =	sdelay $0x1  }
0x3f: {  	v3 =	vadd.s32 v1, v3;
	_ =	sdelay $0x2  }
0x40: {  	[tilespmem:s21], [sflag:$0x1] =	stream.indirect_vreg.gather [hbm4b:s2+s3], $0x80, v4, vm0, $0xb8;
	[tilespmem:$0x6880] =	vst v63  }
0x41: {  	_ = 	snop  }
0x42: {  	[tilespmem:s22], [sflag:$0x1] =	stream.indirect_vreg.gather [hbm4b:s2+s3], $0x80, v3, vm0, $0xb8;
	[tilespmem:$0x6880] =	vst v63  }
0x43: {  	v3 =	vld [tilespmem:$0x40];
	_ =	sdelay $0x4  }
0x44: {  	v62 =	vshll.u32 v3, $0x1  }
0x45: {  	v3 =	vand.u32 $0x7, v3;
	v4 =	vand.u32 $0xFFFFFFF0, v62  }
0x46: {  	v3 =	vor.u32 v3, v4  }
0x47: {  	v4 =	vperm.xlane v3, v0;
	_ =	sdelay $0x1  }
0x48: {  	v3 =	vperm.xlane v3, v2;
	v4 =	vadd.s32 v1, v4;
	_ =	sdelay $0x1  }
0x49: {  	v3 =	vadd.s32 v1, v3;
	_ =	sdelay $0x2  }
0x4a: {  	[tilespmem:s23], [sflag:$0x1] =	stream.indirect_vreg.gather [hbm4b:s2+s3], $0x80, v4, vm0, $0xb8;
	[tilespmem:$0x6880] =	vst v63  }
0x4b: {  	_ = 	snop  }
0x4c: {  	[tilespmem:s24], [sflag:$0x1] =	stream.indirect_vreg.gather [hbm4b:s2+s3], $0x80, v3, vm0, $0xb8;
	[tilespmem:$0x6880] =	vst v63  }
0x4d: {  	v3 =	vld [tilespmem:$0x50];
	_ =	sdelay $0x4  }
0x4e: {  	v63 =	vshll.u32 v3, $0x1  }
0x4f: {  	v3 =	vand.u32 $0x7, v3;
	v4 =	vand.u32 $0xFFFFFFF0, v63  }
0x50: {  	v3 =	vor.u32 v3, v4  }
0x51: {  	v4 =	vperm.xlane v3, v0;
	_ =	sdelay $0x1  }
0x52: {  	v3 =	vperm.xlane v3, v2;
	v4 =	vadd.s32 v1, v4;
	_ =	sdelay $0x1  }
0x53: {  	v3 =	vadd.s32 v1, v3;
	_ =	sdelay $0x2  }
0x54: {  	[tilespmem:s25], [sflag:$0x1] =	stream.indirect_vreg.gather [hbm4b:s2+s3], $0x80, v4, vm0, $0xb8;
	[tilespmem:$0x6880] =	vst v63  }
0x55: {  	_ = 	snop  }
0x56: {  	[tilespmem:s26], [sflag:$0x1] =	stream.indirect_vreg.gather [hbm4b:s2+s3], $0x80, v3, vm0, $0xb8;
	[tilespmem:$0x6880] =	vst v63  }
0x57: {  	_ =	swait.ge [sflag:s28], $0x6000  }
0x58: {  	[sflag:s28] =	ssyncset.done $0x0  }
0x59: {  	[sflag:s28] =	ssyncadd.s32 $0xFFFFA000  }
0x5a: {  	[hbm4b:s5+s29] =	stream.strided.scatter [tilespmem:s15], [sflag:$0x2], $0x1000, s30, s29, $0x38;
	[tilespmem:$0x6880] =	vst v63  }
0x5b: {  	_ =	swait.ge [sflag:s13], $0x1000  }
0x5c: {  	[sflag:s13] =	ssyncset.done $0x0  }
0x5d: {  	[sflag:s13] =	ssyncadd.s32 $0xFFFFF000  }
0x5e: {  	[hbm4b:s6+s29] =	stream.strided.scatter [tilespmem:s17], [sflag:$0x2], $0x1000, s30, s29, $0x38;
	[tilespmem:$0x6880] =	vst v63  }
0x5f: {  	_ =	swait.ge [sflag:s13], $0x1000  }
0x60: {  	[sflag:s13] =	ssyncset.done $0x0  }
0x61: {  	[sflag:s13] =	ssyncadd.s32 $0xFFFFF000  }
0x62: {  	[hbm4b:s7+s29] =	stream.strided.scatter [tilespmem:s19], [sflag:$0x2], $0x1000, s30, s29, $0x38;
	[tilespmem:$0x6880] =	vst v63  }
0x63: {  	_ =	swait.ge [sflag:s13], $0x1000  }
0x64: {  	[sflag:s13] =	ssyncset.done $0x0  }
0x65: {  	[sflag:s13] =	ssyncadd.s32 $0xFFFFF000  }
0x66: {  	[hbm4b:s8+s29] =	stream.strided.scatter [tilespmem:s21], [sflag:$0x2], $0x1000, s30, s29, $0x38;
	[tilespmem:$0x6880] =	vst v63  }
0x67: {  	_ =	swait.ge [sflag:s13], $0x1000  }
0x68: {  	[sflag:s13] =	ssyncset.done $0x0  }
0x69: {  	[sflag:s13] =	ssyncadd.s32 $0xFFFFF000  }
0x6a: {  	[hbm4b:s9+s29] =	stream.strided.scatter [tilespmem:s23], [sflag:$0x2], $0x1000, s30, s29, $0x38;
	[tilespmem:$0x6880] =	vst v63  }
0x6b: {  	_ =	swait.ge [sflag:s13], $0x1000  }
0x6c: {  	[sflag:s13] =	ssyncset.done $0x0  }
0x6d: {  	[sflag:s13] =	ssyncadd.s32 $0xFFFFF000  }
0x6e: {  	[hbm4b:s10+s29] =	stream.strided.scatter [tilespmem:s25], [sflag:$0x2], $0x1000, s30, s29, $0x38;
	[tilespmem:$0x6880] =	vst v63  }
0x6f: {  	_ =	swait.ge [sflag:s13], $0x1000  }
0x70: {  	p0 =	sne.s32 s12, $0x1;
	[sflag:s13] =	ssyncset.done $0x0  }
.Ltmp0:
0x71: {  	[sflag:s13] =	ssyncadd.s32 $0xFFFFF000;
	(pc) =	sbr.rel @p0 .LBB2_1-.Ltmp0, $4  }
0x72: {  	[hbm4b:s11+s31] =	stream.strided.scatter [tilespmem:s14], [sflag:$0x2], $0x800, s30, s31, $0x38;
	[tilespmem:$0x6880] =	vst v63  }
0x73: {  	_ =	swait.ge [sflag:s13], $0x800  }
0x74: {  	[sflag:s13] =	ssyncset.done $0x0  }
0x75: {  	s12 =	sadd.s32 $0xFFFFFFFF, s12;
	[sflag:s13] =	ssyncadd.s32 $0xFFFFF800  }
0x76: {  	_ =	sfence.sel $0x180000  }
0x77: {  	[bflag:$0x0] =	sbarrier.arrive $0xFFFF  }
0x78: {  	_ =	strace $0x90000047  }
0x79: {  	[bflag:$0x2] =	sbarrier.arrive $0xFFFF  }
0x7a: {  	p0 =	sne.s32 s0, $0x0;
	s0 =	rddreg [dreg:$0x2]  }
0x7b: {  	s0 =	sadd.s32 @!p0 $0x100000, s0  }
0x7c: {  	[sflag:s0] =	ssyncadd.tile.s32 @!p0 $0x1;
	_ =	shalt  }
.Lfunc_end2:
_tile_overlayer_lowered:
.L_overlay_start_2:
0x7d: {  	(tag) =	ssettag $0x2  }
0x7e: {  	s0 =	rddreg [dreg:$0x0];
	s2 =	stileid.u32  }
0x7f: {  	s1 =	rddreg [dreg:$0x1];
	p0 =	sne.s32 s2, $0x0  }
0x80: {  	s3 =	rddreg [dreg:$0x2];
	[bflag:$0x3] =	sbarrier.arrive $0xFFFF;
	s2 =	simm.s32 @!p0 $0x1C02  }
0x81: {  	[timem:s3], [sflag:s2] =	dma.local @!p0 [hbm:s0], s1  }
0x82: {  	s0 =	simm.s32 @!p0 $0x2  }
0x83: {  	_ =	swait.ge @!p0 [sflag:s0], s1  }
0x84: {  	s1 =	ssub.s32 @!p0 $0x0, s1;
	[sflag:s0] =	ssyncset.done @!p0 $0x0  }
0x85: {  	[sflag:s0] =	ssyncadd.s32 @!p0 s1  }
0x86: {  	[bflag:$0x3] =	sbarrier.arrive $0xFFFF  }
0x87: {  	_ =	shalt  }

</sc_bundles>
